<compile_context>
chip_gen: v7x
topology: tpu7x:2x2x1
jax: 0.10.2.dev20260603
libtpu: 0.0.44.dev20260713+nightly
codegen_flags: <defaults>
</compile_context>

<pallas_src>
import functools

import jax
import jax.numpy as jnp
from jax import lax
from jax.experimental import pallas as pl
from jax.experimental.pallas import tpu as pltpu
from jax.experimental.pallas import tpu_sc as plsc

_VOCAB = 100000
_E = 128
_H = 64
_NL = 10
_B = 1024
_T = 200

_NC = 2
_NS = 16
_NW = _NC * _NS
_NTOK = _B * _T
_PER_W = _NTOK // _NW
_CHUNK = 128
_NCHUNK = _PER_W // _CHUNK


def _sc_gather(emb, idx3):
    mesh = plsc.VectorSubcoreMesh(core_axis_name="c", subcore_axis_name="s")

    @functools.partial(
        pl.kernel,
        mesh=mesh,
        out_type=jax.ShapeDtypeStruct((_NTOK, _E), jnp.float32),
        scratch_types=[
            pltpu.VMEM((_NCHUNK, _CHUNK), jnp.int32),
            pltpu.VMEM((2, _CHUNK, _E), jnp.float32),
            pltpu.SemaphoreType.DMA,
            pltpu.SemaphoreType.DMA,
            pltpu.SemaphoreType.DMA,
            pltpu.SemaphoreType.DMA,
        ],
    )
    def k(emb_hbm, idx_hbm, out_hbm, idx_v, rows_v, g0, g1, s0, s1):
        wid = lax.axis_index("s") * _NC + lax.axis_index("c")
        base = wid * _PER_W
        pltpu.sync_copy(idx_hbm.at[wid], idx_v)

        gsem = (g0, g1)
        ssem = (s0, s1)

        def start_gather(j, b):
            pltpu.make_async_copy(
                emb_hbm.at[idx_v.at[j]], rows_v.at[b], gsem[b]
            ).start()

        def wait_gather(b):
            pltpu.make_async_copy(
                emb_hbm.at[idx_v.at[0]], rows_v.at[b], gsem[b]
            ).wait()

        def start_store(j, b):
            pltpu.make_async_copy(
                rows_v.at[b], out_hbm.at[pl.ds(base + j * _CHUNK, _CHUNK)], ssem[b]
            ).start()

        def wait_store(b):
            pltpu.make_async_copy(
                rows_v.at[b], out_hbm.at[pl.ds(base, _CHUNK)], ssem[b]
            ).wait()

        start_gather(0, 0)
        start_gather(1, 1)

        def body(i, carry):
            j0 = 2 * i
            wait_gather(0)
            start_store(j0, 0)
            wait_store(0)
            start_gather(j0 + 2, 0)
            wait_gather(1)
            start_store(j0 + 1, 1)
            wait_store(1)
            start_gather(j0 + 3, 1)
            return carry

        lax.fori_loop(0, _NCHUNK // 2 - 1, body, 0)
        jlast = _NCHUNK - 2
        wait_gather(0)
        start_store(jlast, 0)
        wait_store(0)
        wait_gather(1)
        start_store(jlast + 1, 1)
        wait_store(1)

    return k(emb, idx3)


def _gru_cell(gi, h, whhT, bhh):
    gh = jnp.dot(h, whhT, preferred_element_type=jnp.float32) + bhh
    ir, iz, inn = gi[:, :_H], gi[:, _H:2 * _H], gi[:, 2 * _H:]
    hr, hz, hn = gh[:, :_H], gh[:, _H:2 * _H], gh[:, 2 * _H:]
    r = jax.nn.sigmoid(ir + hr)
    z = jax.nn.sigmoid(iz + hz)
    n = jnp.tanh(inn + r * hn)
    return (1.0 - z) * n + z * h


def _l0_body(xf_ref, xb_ref, text_ref,
             wfih_ref, wfhh_ref, bfih_ref, bfhh_ref,
             wbih_ref, wbhh_ref, bbih_ref, bbhh_ref,
             outf_ref, outb_ref, hf_out, hb_out, lens_out,
             hf_s, hb_s, lens_s):
    i = pl.program_id(0)

    @pl.when(i == 0)
    def _init():
        hf_s[...] = jnp.zeros_like(hf_s)
        hb_s[...] = jnp.zeros_like(hb_s)
        tt = text_ref[...]
        lens_s[...] = jnp.sum((tt != 0).astype(jnp.int32), axis=1, keepdims=True)
        lens_out[...] = lens_s[...]

    lens = lens_s[...]

    hf = hf_s[...]
    gi_f = jnp.dot(xf_ref[0], wfih_ref[...],
                   preferred_element_type=jnp.float32) + bfih_ref[...]
    hf2 = _gru_cell(gi_f, hf, wfhh_ref[...], bfhh_ref[...])
    hf2 = jnp.where(i < lens, hf2, hf)
    hf_s[...] = hf2
    outf_ref[0] = hf2

    hb = hb_s[...]
    gi_b = jnp.dot(xb_ref[0], wbih_ref[...],
                   preferred_element_type=jnp.float32) + bbih_ref[...]
    hb2 = _gru_cell(gi_b, hb, wbhh_ref[...], bbhh_ref[...])
    hb2 = jnp.where((_T - 1 - i) < lens, hb2, hb)
    hb_s[...] = hb2
    outb_ref[0] = hb2

    @pl.when(i == _T - 1)
    def _fin():
        hf_out[...] = hf2
        hb_out[...] = hb2


def _l1_body(ff_ref, fb_ref, bf_ref, bb_ref, lens_ref, h0f_ref, h0b_ref,
             wfa_ref, wfb_ref, wfhh_ref, bfih_ref, bfhh_ref,
             wba_ref, wbb_ref, wbhh_ref, bbih_ref, bbhh_ref,
             wo0_ref, wo1_ref, wo2_ref, wo3_ref, bo_ref,
             out_ref, hf_s, hb_s):
    i = pl.program_id(0)

    @pl.when(i == 0)
    def _init():
        hf_s[...] = jnp.zeros_like(hf_s)
        hb_s[...] = jnp.zeros_like(hb_s)

    lens = lens_ref[...]

    hf = hf_s[...]
    gi_f = (jnp.dot(ff_ref[0], wfa_ref[...], preferred_element_type=jnp.float32)
            + jnp.dot(fb_ref[0], wfb_ref[...], preferred_element_type=jnp.float32)
            + bfih_ref[...])
    hf2 = _gru_cell(gi_f, hf, wfhh_ref[...], bfhh_ref[...])
    hf2 = jnp.where(i < lens, hf2, hf)
    hf_s[...] = hf2

    hb = hb_s[...]
    gi_b = (jnp.dot(bf_ref[0], wba_ref[...], preferred_element_type=jnp.float32)
            + jnp.dot(bb_ref[0], wbb_ref[...], preferred_element_type=jnp.float32)
            + bbih_ref[...])
    hb2 = _gru_cell(gi_b, hb, wbhh_ref[...], bbhh_ref[...])
    hb2 = jnp.where((_T - 1 - i) < lens, hb2, hb)
    hb_s[...] = hb2

    @pl.when(i == _T - 1)
    def _fin():
        out_ref[...] = (
            jnp.dot(h0f_ref[...], wo0_ref[...], preferred_element_type=jnp.float32)
            + jnp.dot(h0b_ref[...], wo1_ref[...], preferred_element_type=jnp.float32)
            + jnp.dot(hf2, wo2_ref[...], preferred_element_type=jnp.float32)
            + jnp.dot(hb2, wo3_ref[...], preferred_element_type=jnp.float32)
            + bo_ref[...])


def _full(shape):
    nd = len(shape)
    return pl.BlockSpec(shape, lambda i: (0,) * nd)


def kernel(text, emb, w_ih, w_hh, b_ih, b_hh, w_out, b_out):
    text = text.astype(jnp.int32)
    emb = emb.astype(jnp.float32)

    idx3 = text.T.reshape(_NW, _NCHUNK, _CHUNK)
    xT = _sc_gather(emb, idx3).reshape(_T, _B, _E)

    H3 = 3 * _H

    w0f_ihT = w_ih[0, 0].T
    w0f_hhT = w_hh[0, 0].T
    w0b_ihT = w_ih[0, 1].T
    w0b_hhT = w_hh[0, 1].T
    b0f_ih = b_ih[0, 0].reshape(1, H3)
    b0f_hh = b_hh[0, 0].reshape(1, H3)
    b0b_ih = b_ih[0, 1].reshape(1, H3)
    b0b_hh = b_hh[0, 1].reshape(1, H3)

    outf, outb, h0f, h0b, lensC = pl.pallas_call(
        _l0_body,
        grid=(_T,),
        in_specs=[
            pl.BlockSpec((1, _B, _E), lambda i: (i, 0, 0)),
            pl.BlockSpec((1, _B, _E), lambda i: (_T - 1 - i, 0, 0)),
            _full((_B, _T)),
            _full((_E, H3)), _full((_H, H3)), _full((1, H3)), _full((1, H3)),
            _full((_E, H3)), _full((_H, H3)), _full((1, H3)), _full((1, H3)),
        ],
        out_specs=[
            pl.BlockSpec((1, _B, _H), lambda i: (i, 0, 0)),
            pl.BlockSpec((1, _B, _H), lambda i: (_T - 1 - i, 0, 0)),
            _full((_B, _H)),
            _full((_B, _H)),
            _full((_B, 1)),
        ],
        out_shape=[
            jax.ShapeDtypeStruct((_T, _B, _H), jnp.float32),
            jax.ShapeDtypeStruct((_T, _B, _H), jnp.float32),
            jax.ShapeDtypeStruct((_B, _H), jnp.float32),
            jax.ShapeDtypeStruct((_B, _H), jnp.float32),
            jax.ShapeDtypeStruct((_B, 1), jnp.int32),
        ],
        scratch_shapes=[
            pltpu.VMEM((_B, _H), jnp.float32),
            pltpu.VMEM((_B, _H), jnp.float32),
            pltpu.VMEM((_B, 1), jnp.int32),
        ],
        compiler_params=pltpu.CompilerParams(
            dimension_semantics=("arbitrary",)),
    )(xT, xT, text,
      w0f_ihT, w0f_hhT, b0f_ih, b0f_hh,
      w0b_ihT, w0b_hhT, b0b_ih, b0b_hh)

    w1f_a = w_ih[1, 0][:, :_H].T
    w1f_b = w_ih[1, 0][:, _H:].T
    w1b_a = w_ih[1, 1][:, :_H].T
    w1b_b = w_ih[1, 1][:, _H:].T
    w1f_hhT = w_hh[1, 0].T
    w1b_hhT = w_hh[1, 1].T
    b1f_ih = b_ih[1, 0].reshape(1, H3)
    b1f_hh = b_hh[1, 0].reshape(1, H3)
    b1b_ih = b_ih[1, 1].reshape(1, H3)
    b1b_hh = b_hh[1, 1].reshape(1, H3)
    wo = [w_out[:, k * _H:(k + 1) * _H].T for k in range(4)]
    bo = b_out.reshape(1, _NL)

    out = pl.pallas_call(
        _l1_body,
        grid=(_T,),
        in_specs=[
            pl.BlockSpec((1, _B, _H), lambda i: (i, 0, 0)),
            pl.BlockSpec((1, _B, _H), lambda i: (i, 0, 0)),
            pl.BlockSpec((1, _B, _H), lambda i: (_T - 1 - i, 0, 0)),
            pl.BlockSpec((1, _B, _H), lambda i: (_T - 1 - i, 0, 0)),
            _full((_B, 1)),
            _full((_B, _H)), _full((_B, _H)),
            _full((_H, H3)), _full((_H, H3)), _full((_H, H3)),
            _full((1, H3)), _full((1, H3)),
            _full((_H, H3)), _full((_H, H3)), _full((_H, H3)),
            _full((1, H3)), _full((1, H3)),
            _full((_H, _NL)), _full((_H, _NL)), _full((_H, _NL)), _full((_H, _NL)),
            _full((1, _NL)),
        ],
        out_specs=pl.BlockSpec((_B, _NL), lambda i: (0, 0)),
        out_shape=jax.ShapeDtypeStruct((_B, _NL), jnp.float32),
        scratch_shapes=[
            pltpu.VMEM((_B, _H), jnp.float32),
            pltpu.VMEM((_B, _H), jnp.float32),
        ],
        compiler_params=pltpu.CompilerParams(
            dimension_semantics=("arbitrary",)),
    )(outf, outb, outf, outb, lensC, h0f, h0b,
      w1f_a, w1f_b, w1f_hhT, b1f_ih, b1f_hh,
      w1b_a, w1b_b, w1b_hhT, b1b_ih, b1b_hh,
      wo[0], wo[1], wo[2], wo[3], bo)

    return out

# --- scband reference (transcript-rebuilt; emitter-appended) ---
"""Pipeline reference for scband-sequence-classifier-9818295239219 (READ-ONLY COPY).

The authoritative reference and input builder live on the scoring server;
editing this copy changes nothing except your own understanding.
"""

import jax, jax.numpy as jnp
import numpy as np

VOCAB = 100000
E = 128
H = 64
L = 2
NL = 10
B = 1024
T = 200
PAD = 0


def setup_inputs(seed: int = 0) -> dict:
    key = jax.random.key(seed)
    ks = jax.random.split(key, 8)
    text = jax.random.randint(ks[0], (B, T), 0, VOCAB)
    emb = jax.random.normal(ks[1], (VOCAB, E), dtype=jnp.float32) * 0.02
    w_ih = jax.random.normal(ks[2], (L, 2, 3 * H, E), dtype=jnp.float32) * 0.05
    w_hh = jax.random.normal(ks[3], (L, 2, 3 * H, H), dtype=jnp.float32) * 0.05
    b_ih = jax.random.normal(ks[4], (L, 2, 3 * H), dtype=jnp.float32) * 0.01
    b_hh = jax.random.normal(ks[5], (L, 2, 3 * H), dtype=jnp.float32) * 0.01
    w_out = jax.random.normal(ks[6], (NL, 2 * L * H), dtype=jnp.float32) * 0.05
    b_out = jnp.zeros((NL,), dtype=jnp.float32)
    return {"text": text, "emb": emb, "w_ih": w_ih, "w_hh": w_hh,
            "b_ih": b_ih, "b_hh": b_hh, "w_out": w_out, "b_out": b_out}


def _gru_dir(x, lens, Wih, Whh, bih, bhh):
    Bd, Td, Dd = x.shape
    Hd = Whh.shape[1]
    mask = (jnp.arange(Td)[None, :] < lens[:, None])
    xs = jnp.swapaxes(x, 0, 1)
    ms = jnp.swapaxes(mask, 0, 1)[:, :, None]

    def step(h, inp):
        xt, mt = inp
        gi = xt @ Wih.T + bih
        gh = h @ Whh.T + bhh
        ir, iz, inn = jnp.split(gi, 3, axis=1)
        hr, hz, hn = jnp.split(gh, 3, axis=1)
        r = jax.nn.sigmoid(ir + hr)
        z = jax.nn.sigmoid(iz + hz)
        n = jnp.tanh(inn + r * hn)
        hnew = (1.0 - z) * n + z * h
        h2 = jnp.where(mt, hnew, h)
        return h2, h2

    h0 = jnp.zeros((Bd, Hd), dtype=x.dtype)
    hT, outs = jax.lax.scan(step, h0, (xs, ms))
    outs = jnp.swapaxes(outs, 0, 1) * mask[:, :, None]
    return outs, hT


def _rev_within_len(x, lens):
    Td = x.shape[1]
    idx = jnp.clip(lens[:, None] - 1 - jnp.arange(Td)[None, :], 0, Td - 1)
    return jnp.take_along_axis(x, idx[:, :, None], axis=1)


def reference(text, emb, w_ih, w_hh, b_ih, b_hh, w_out, b_out):
    # lens = number of non-pad tokens; pack_padded_sequence processes first lens[b] steps
    lens = (text != PAD).sum(axis=1)
    x = jnp.take(emb, text, axis=0)  # embedding gather [B, T, E]
    mask = (jnp.arange(T)[None, :] < lens[:, None])[:, :, None]
    hiddens = []
    for l in range(L):
        out_f, h_f = _gru_dir(x, lens, w_ih[l, 0], w_hh[l, 0], b_ih[l, 0], b_hh[l, 0])
        x_rev = _rev_within_len(x, lens)
        out_b_rev, h_b = _gru_dir(x_rev, lens, w_ih[l, 1], w_hh[l, 1], b_ih[l, 1], b_hh[l, 1])
        out_b = _rev_within_len(out_b_rev, lens) * mask
        hiddens += [h_f, h_b]  # PyTorch hidden layout: layer0_fwd, layer0_bwd, layer1_fwd, layer1_bwd
        x = jnp.concatenate([out_f, out_b], axis=-1)
    hcat = jnp.concatenate(hiddens, axis=-1)  # [B, L*2*H], matches transpose(0,1).reshape(B,-1)
    return hcat @ w_out.T + b_out

if __name__ == "__main__":
    import jax
    _d = setup_inputs()
    print(jax.jit(kernel)(*tuple(_d.values())))

</pallas_src>

<mosaic_0001>
#map = affine_map<(d0, d1) -> (0, 0)>
#map1 = affine_map<(d0, d1) -> (0, 0, 0)>
module attributes {stable_mosaic.version = 14 : i64} {
  func.func @k(%arg0: i32, %arg1: i32, %arg2: memref<100000x128xf32, #tpu.memory_space<hbm>>, %arg3: memref<32x50x128xi32, #tpu.memory_space<hbm>>, %arg4: memref<204800x128xf32, #tpu.memory_space<hbm>>, %arg5: memref<50x128xi32, #tpu.memory_space<vmem>>, %arg6: memref<2x128x128xf32, #tpu.memory_space<vmem>>, %arg7: memref<!tpu.dma_semaphore, #tpu.memory_space<semaphore_mem>>, %arg8: memref<!tpu.dma_semaphore, #tpu.memory_space<semaphore_mem>>, %arg9: memref<!tpu.dma_semaphore, #tpu.memory_space<semaphore_mem>>, %arg10: memref<!tpu.dma_semaphore, #tpu.memory_space<semaphore_mem>>) attributes {dimension_semantics = [#tpu.dimension_semantics<core_parallel>, #tpu.dimension_semantics<subcore_parallel>], iteration_bounds = array<i64: 2, 16>, scalar_prefetch = 0 : i64, scratch_operands = 6 : i64, tpu.core_type = #tpu.core_type<sc_vector_subcore>, window_params = [{transform_indices = #map}, {transform_indices = #map1}, {transform_indices = #map}]} {
    %mul3A = arith.constant 2 : i32
    %mul3A_0 = arith.muli %arg1, %mul3A : i32
    %add3A = arith.addi %mul3A_0, %arg0 : i32
    %mul3A_1 = arith.constant 6400 : i32
    %mul3A_2 = arith.muli %add3A, %mul3A_1 : i32
    "tpu.region"() ({
      %run_scoped3A = tpu.sem_alloc : memref<!tpu.dma_semaphore, #tpu.memory_space<semaphore_mem>>
      %dma_start3A_110 = arith.constant 0 : i32
      %dma_start3A_111 = arith.constant 0 : i32
      %dma_start3A_112 = tpu.memref_slice %arg3[%add3A, %dma_start3A_110, %dma_start3A_111] : memref<32x50x128xi32, #tpu.memory_space<hbm>> -> memref<1x50x128xi32, #tpu.memory_space<hbm>>
      %dma_start3A_113 = tpu.memref_squeeze %dma_start3A_112 : memref<1x50x128xi32, #tpu.memory_space<hbm>> -> memref<50x128xi32, #tpu.memory_space<hbm>>
      %dma_start3A_114 = arith.constant 0 : i32
      %dma_start3A_115 = arith.constant 0 : i32
      %dma_start3A_116 = tpu.memref_slice %arg3[%add3A, %dma_start3A_114, %dma_start3A_115] : memref<32x50x128xi32, #tpu.memory_space<hbm>> -> memref<1x50x128xi32, #tpu.memory_space<hbm>>
      %dma_start3A_117 = tpu.memref_squeeze %dma_start3A_116 : memref<1x50x128xi32, #tpu.memory_space<hbm>> -> memref<50x128xi32, #tpu.memory_space<hbm>>
      tpu.enqueue_dma source(%dma_start3A_117 : memref<50x128xi32, #tpu.memory_space<hbm>>) target(%arg5 : memref<50x128xi32, #tpu.memory_space<vmem>>) target_semaphore(%run_scoped3A : memref<!tpu.dma_semaphore, #tpu.memory_space<semaphore_mem>>)
      %dma_wait3A_118 = arith.constant 0 : i32
      %dma_wait3A_119 = arith.constant 0 : i32
      %dma_wait3A_120 = tpu.memref_slice %arg3[%add3A, %dma_wait3A_118, %dma_wait3A_119] : memref<32x50x128xi32, #tpu.memory_space<hbm>> -> memref<1x50x128xi32, #tpu.memory_space<hbm>>
      %dma_wait3A_121 = tpu.memref_squeeze %dma_wait3A_120 : memref<1x50x128xi32, #tpu.memory_space<hbm>> -> memref<50x128xi32, #tpu.memory_space<hbm>>
      %dma_wait3A_122 = arith.constant 0 : i32
      %dma_wait3A_123 = arith.constant 0 : i32
      %dma_wait3A_124 = tpu.memref_slice %arg3[%add3A, %dma_wait3A_122, %dma_wait3A_123] : memref<32x50x128xi32, #tpu.memory_space<hbm>> -> memref<1x50x128xi32, #tpu.memory_space<hbm>>
      %dma_wait3A_125 = tpu.memref_squeeze %dma_wait3A_124 : memref<1x50x128xi32, #tpu.memory_space<hbm>> -> memref<50x128xi32, #tpu.memory_space<hbm>>
      tpu.wait_dma2 semaphore(%run_scoped3A : memref<!tpu.dma_semaphore, #tpu.memory_space<semaphore_mem>>) src(%dma_wait3A_125 : memref<50x128xi32, #tpu.memory_space<hbm>>) dst(%arg5 : memref<50x128xi32, #tpu.memory_space<vmem>>)
      tpu.yield
    }) : () -> ()
    %dma_start3A = arith.constant 0 : i32
    %dma_start3A_3 = arith.constant 0 : i32
    %dma_start3A_4 = arith.constant 0 : i32
    %dma_start3A_5 = arith.constant 0 : i32
    %dma_start3A_6 = tpu.memref_slice %arg6[%dma_start3A_3, %dma_start3A_4, %dma_start3A_5] : memref<2x128x128xf32, #tpu.memory_space<vmem>> -> memref<1x128x128xf32, #tpu.memory_space<vmem>>
    %dma_start3A_7 = tpu.memref_squeeze %dma_start3A_6 : memref<1x128x128xf32, #tpu.memory_space<vmem>> -> memref<128x128xf32, #tpu.memory_space<vmem>>
    %dma_start3A_8 = arith.constant 0 : i32
    %dma_start3A_9 = tpu.memref_slice %arg5[%dma_start3A, %dma_start3A_8] : memref<50x128xi32, #tpu.memory_space<vmem>> -> memref<1x128xi32, #tpu.memory_space<vmem>>
    %dma_start3A_10 = tpu.memref_squeeze %dma_start3A_9 : memref<1x128xi32, #tpu.memory_space<vmem>> -> memref<128xi32, #tpu.memory_space<vmem>>
    %dma_start3A_11 = arith.constant 0 : i32
    %dma_start3A_12 = arith.constant 0 : i32
    %dma_start3A_13 = tpu.memref_slice %arg2[%dma_start3A_11, %dma_start3A_12] : memref<100000x128xf32, #tpu.memory_space<hbm>> -> memref<100000x128xf32, #tpu.memory_space<hbm>>
    tpu.enqueue_indirect_dma source(%dma_start3A_13 : memref<100000x128xf32, #tpu.memory_space<hbm>>) target(%dma_start3A_7 : memref<128x128xf32, #tpu.memory_space<vmem>>) offsets(%dma_start3A_10 : memref<128xi32, #tpu.memory_space<vmem>>) semaphore(%arg7 : memref<!tpu.dma_semaphore, #tpu.memory_space<semaphore_mem>>)
    %dma_start3A_14 = arith.constant 1 : i32
    %dma_start3A_15 = arith.constant 1 : i32
    %dma_start3A_16 = arith.constant 0 : i32
    %dma_start3A_17 = arith.constant 0 : i32
    %dma_start3A_18 = tpu.memref_slice %arg6[%dma_start3A_15, %dma_start3A_16, %dma_start3A_17] : memref<2x128x128xf32, #tpu.memory_space<vmem>> -> memref<1x128x128xf32, #tpu.memory_space<vmem>>
    %dma_start3A_19 = tpu.memref_squeeze %dma_start3A_18 : memref<1x128x128xf32, #tpu.memory_space<vmem>> -> memref<128x128xf32, #tpu.memory_space<vmem>>
    %dma_start3A_20 = arith.constant 0 : i32
    %dma_start3A_21 = tpu.memref_slice %arg5[%dma_start3A_14, %dma_start3A_20] : memref<50x128xi32, #tpu.memory_space<vmem>> -> memref<1x128xi32, #tpu.memory_space<vmem>>
    %dma_start3A_22 = tpu.memref_squeeze %dma_start3A_21 : memref<1x128xi32, #tpu.memory_space<vmem>> -> memref<128xi32, #tpu.memory_space<vmem>>
    %dma_start3A_23 = arith.constant 0 : i32
    %dma_start3A_24 = arith.constant 0 : i32
    %dma_start3A_25 = tpu.memref_slice %arg2[%dma_start3A_23, %dma_start3A_24] : memref<100000x128xf32, #tpu.memory_space<hbm>> -> memref<100000x128xf32, #tpu.memory_space<hbm>>
    tpu.enqueue_indirect_dma source(%dma_start3A_25 : memref<100000x128xf32, #tpu.memory_space<hbm>>) target(%dma_start3A_19 : memref<128x128xf32, #tpu.memory_space<vmem>>) offsets(%dma_start3A_22 : memref<128xi32, #tpu.memory_space<vmem>>) semaphore(%arg8 : memref<!tpu.dma_semaphore, #tpu.memory_space<semaphore_mem>>)
    %scan3A = arith.constant 0 : i32
    %scan3A_26 = arith.constant 0 : i32
    %scan3A_27 = arith.constant 24 : i32
    %scan3A_28 = arith.addi %scan3A_26, %scan3A_27 : i32
    %scan3A_29 = arith.constant 1 : i32
    scf.for %scan3A_110 = %scan3A_26 to %scan3A_28 step %scan3A_29  : i32 {
      %mul3A_111 = arith.constant 2 : i32
      %mul3A_112 = arith.muli %mul3A_111, %scan3A_110 : i32
      %dma_wait3A_113 = arith.constant 0 : i32
      %dma_wait3A_114 = arith.constant 0 : i32
      %dma_wait3A_115 = arith.constant 0 : i32
      %dma_wait3A_116 = arith.constant 0 : i32
      %dma_wait3A_117 = tpu.memref_slice %arg6[%dma_wait3A_114, %dma_wait3A_115, %dma_wait3A_116] : memref<2x128x128xf32, #tpu.memory_space<vmem>> -> memref<1x128x128xf32, #tpu.memory_space<vmem>>
      %dma_wait3A_118 = tpu.memref_squeeze %dma_wait3A_117 : memref<1x128x128xf32, #tpu.memory_space<vmem>> -> memref<128x128xf32, #tpu.memory_space<vmem>>
      %dma_wait3A_119 = arith.constant 0 : i32
      %dma_wait3A_120 = tpu.memref_slice %arg5[%dma_wait3A_113, %dma_wait3A_119] : memref<50x128xi32, #tpu.memory_space<vmem>> -> memref<1x128xi32, #tpu.memory_space<vmem>>
      %dma_wait3A_121 = tpu.memref_squeeze %dma_wait3A_120 : memref<1x128xi32, #tpu.memory_space<vmem>> -> memref<128xi32, #tpu.memory_space<vmem>>
      %dma_wait3A_122 = arith.constant 0 : i32
      %dma_wait3A_123 = arith.constant 0 : i32
      %dma_wait3A_124 = tpu.memref_slice %arg2[%dma_wait3A_122, %dma_wait3A_123] : memref<100000x128xf32, #tpu.memory_space<hbm>> -> memref<100000x128xf32, #tpu.memory_space<hbm>>
      tpu.wait_indirect_dma semaphore(%arg7 : memref<!tpu.dma_semaphore, #tpu.memory_space<semaphore_mem>>) src(%dma_wait3A_124 : memref<100000x128xf32, #tpu.memory_space<hbm>>) dst(%dma_wait3A_118 : memref<128x128xf32, #tpu.memory_space<vmem>>)
      %mul3A_125 = arith.constant 128 : i32
      %mul3A_126 = arith.muli %mul3A_112, %mul3A_125 : i32
      %add3A_127 = arith.addi %mul3A_2, %mul3A_126 : i32
      %dma_start3A_128 = arith.constant 0 : i32
      %dma_start3A_129 = arith.constant 0 : i32
      %dma_start3A_130 = arith.constant 0 : i32
      %dma_start3A_131 = tpu.memref_slice %arg6[%dma_start3A_128, %dma_start3A_129, %dma_start3A_130] : memref<2x128x128xf32, #tpu.memory_space<vmem>> -> memref<1x128x128xf32, #tpu.memory_space<vmem>>
      %dma_start3A_132 = tpu.memref_squeeze %dma_start3A_131 : memref<1x128x128xf32, #tpu.memory_space<vmem>> -> memref<128x128xf32, #tpu.memory_space<vmem>>
      %dma_start3A_133 = arith.constant 0 : i32
      %dma_start3A_134 = tpu.memref_slice %arg4[%add3A_127, %dma_start3A_133] : memref<204800x128xf32, #tpu.memory_space<hbm>> -> memref<128x128xf32, #tpu.memory_space<hbm>>
      %dma_start3A_135 = arith.constant 0 : i32
      %dma_start3A_136 = tpu.memref_slice %arg4[%add3A_127, %dma_start3A_135] : memref<204800x128xf32, #tpu.memory_space<hbm>> -> memref<128x128xf32, #tpu.memory_space<hbm>>
      %dma_start3A_137 = arith.constant 0 : i32
      %dma_start3A_138 = arith.constant 0 : i32
      %dma_start3A_139 = tpu.memref_slice %arg6[%dma_start3A_128, %dma_start3A_137, %dma_start3A_138] : memref<2x128x128xf32, #tpu.memory_space<vmem>> -> memref<1x128x128xf32, #tpu.memory_space<vmem>>
      %dma_start3A_140 = tpu.memref_squeeze %dma_start3A_139 : memref<1x128x128xf32, #tpu.memory_space<vmem>> -> memref<128x128xf32, #tpu.memory_space<vmem>>
      tpu.enqueue_dma source(%dma_start3A_140 : memref<128x128xf32, #tpu.memory_space<vmem>>) target(%dma_start3A_136 : memref<128x128xf32, #tpu.memory_space<hbm>>) target_semaphore(%arg9 : memref<!tpu.dma_semaphore, #tpu.memory_space<semaphore_mem>>)
      %dma_wait3A_141 = arith.constant 0 : i32
      %dma_wait3A_142 = arith.constant 0 : i32
      %dma_wait3A_143 = arith.constant 0 : i32
      %dma_wait3A_144 = tpu.memref_slice %arg6[%dma_wait3A_141, %dma_wait3A_142, %dma_wait3A_143] : memref<2x128x128xf32, #tpu.memory_space<vmem>> -> memref<1x128x128xf32, #tpu.memory_space<vmem>>
      %dma_wait3A_145 = tpu.memref_squeeze %dma_wait3A_144 : memref<1x128x128xf32, #tpu.memory_space<vmem>> -> memref<128x128xf32, #tpu.memory_space<vmem>>
      %dma_wait3A_146 = arith.constant 0 : i32
      %dma_wait3A_147 = tpu.memref_slice %arg4[%mul3A_2, %dma_wait3A_146] : memref<204800x128xf32, #tpu.memory_space<hbm>> -> memref<128x128xf32, #tpu.memory_space<hbm>>
      %dma_wait3A_148 = arith.constant 0 : i32
      %dma_wait3A_149 = tpu.memref_slice %arg4[%mul3A_2, %dma_wait3A_148] : memref<204800x128xf32, #tpu.memory_space<hbm>> -> memref<128x128xf32, #tpu.memory_space<hbm>>
      %dma_wait3A_150 = arith.constant 0 : i32
      %dma_wait3A_151 = arith.constant 0 : i32
      %dma_wait3A_152 = tpu.memref_slice %arg6[%dma_wait3A_141, %dma_wait3A_150, %dma_wait3A_151] : memref<2x128x128xf32, #tpu.memory_space<vmem>> -> memref<1x128x128xf32, #tpu.memory_space<vmem>>
      %dma_wait3A_153 = tpu.memref_squeeze %dma_wait3A_152 : memref<1x128x128xf32, #tpu.memory_space<vmem>> -> memref<128x128xf32, #tpu.memory_space<vmem>>
      tpu.wait_dma2 semaphore(%arg9 : memref<!tpu.dma_semaphore, #tpu.memory_space<semaphore_mem>>) src(%dma_wait3A_153 : memref<128x128xf32, #tpu.memory_space<vmem>>) dst(%dma_wait3A_149 : memref<128x128xf32, #tpu.memory_space<hbm>>)
      %add3A_154 = arith.constant 2 : i32
      %add3A_155 = arith.addi %mul3A_112, %add3A_154 : i32
      %dma_start3A_156 = arith.constant 0 : i32
      %dma_start3A_157 = arith.constant 0 : i32
      %dma_start3A_158 = arith.constant 0 : i32
      %dma_start3A_159 = tpu.memref_slice %arg6[%dma_start3A_156, %dma_start3A_157, %dma_start3A_158] : memref<2x128x128xf32, #tpu.memory_space<vmem>> -> memref<1x128x128xf32, #tpu.memory_space<vmem>>
      %dma_start3A_160 = tpu.memref_squeeze %dma_start3A_159 : memref<1x128x128xf32, #tpu.memory_space<vmem>> -> memref<128x128xf32, #tpu.memory_space<vmem>>
      %dma_start3A_161 = arith.constant 0 : i32
      %dma_start3A_162 = tpu.memref_slice %arg5[%add3A_155, %dma_start3A_161] : memref<50x128xi32, #tpu.memory_space<vmem>> -> memref<1x128xi32, #tpu.memory_space<vmem>>
      %dma_start3A_163 = tpu.memref_squeeze %dma_start3A_162 : memref<1x128xi32, #tpu.memory_space<vmem>> -> memref<128xi32, #tpu.memory_space<vmem>>
      %dma_start3A_164 = arith.constant 0 : i32
      %dma_start3A_165 = arith.constant 0 : i32
      %dma_start3A_166 = tpu.memref_slice %arg2[%dma_start3A_164, %dma_start3A_165] : memref<100000x128xf32, #tpu.memory_space<hbm>> -> memref<100000x128xf32, #tpu.memory_space<hbm>>
      tpu.enqueue_indirect_dma source(%dma_start3A_166 : memref<100000x128xf32, #tpu.memory_space<hbm>>) target(%dma_start3A_160 : memref<128x128xf32, #tpu.memory_space<vmem>>) offsets(%dma_start3A_163 : memref<128xi32, #tpu.memory_space<vmem>>) semaphore(%arg7 : memref<!tpu.dma_semaphore, #tpu.memory_space<semaphore_mem>>)
      %dma_wait3A_167 = arith.constant 0 : i32
      %dma_wait3A_168 = arith.constant 1 : i32
      %dma_wait3A_169 = arith.constant 0 : i32
      %dma_wait3A_170 = arith.constant 0 : i32
      %dma_wait3A_171 = tpu.memref_slice %arg6[%dma_wait3A_168, %dma_wait3A_169, %dma_wait3A_170] : memref<2x128x128xf32, #tpu.memory_space<vmem>> -> memref<1x128x128xf32, #tpu.memory_space<vmem>>
      %dma_wait3A_172 = tpu.memref_squeeze %dma_wait3A_171 : memref<1x128x128xf32, #tpu.memory_space<vmem>> -> memref<128x128xf32, #tpu.memory_space<vmem>>
      %dma_wait3A_173 = arith.constant 0 : i32
      %dma_wait3A_174 = tpu.memref_slice %arg5[%dma_wait3A_167, %dma_wait3A_173] : memref<50x128xi32, #tpu.memory_space<vmem>> -> memref<1x128xi32, #tpu.memory_space<vmem>>
      %dma_wait3A_175 = tpu.memref_squeeze %dma_wait3A_174 : memref<1x128xi32, #tpu.memory_space<vmem>> -> memref<128xi32, #tpu.memory_space<vmem>>
      %dma_wait3A_176 = arith.constant 0 : i32
      %dma_wait3A_177 = arith.constant 0 : i32
      %dma_wait3A_178 = tpu.memref_slice %arg2[%dma_wait3A_176, %dma_wait3A_177] : memref<100000x128xf32, #tpu.memory_space<hbm>> -> memref<100000x128xf32, #tpu.memory_space<hbm>>
      tpu.wait_indirect_dma semaphore(%arg8 : memref<!tpu.dma_semaphore, #tpu.memory_space<semaphore_mem>>) src(%dma_wait3A_178 : memref<100000x128xf32, #tpu.memory_space<hbm>>) dst(%dma_wait3A_172 : memref<128x128xf32, #tpu.memory_space<vmem>>)
      %add3A_179 = arith.constant 1 : i32
      %add3A_180 = arith.addi %mul3A_112, %add3A_179 : i32
      %mul3A_181 = arith.constant 128 : i32
      %mul3A_182 = arith.muli %add3A_180, %mul3A_181 : i32
      %add3A_183 = arith.addi %mul3A_2, %mul3A_182 : i32
      %dma_start3A_184 = arith.constant 1 : i32
      %dma_start3A_185 = arith.constant 0 : i32
      %dma_start3A_186 = arith.constant 0 : i32
      %dma_start3A_187 = tpu.memref_slice %arg6[%dma_start3A_184, %dma_start3A_185, %dma_start3A_186] : memref<2x128x128xf32, #tpu.memory_space<vmem>> -> memref<1x128x128xf32, #tpu.memory_space<vmem>>
      %dma_start3A_188 = tpu.memref_squeeze %dma_start3A_187 : memref<1x128x128xf32, #tpu.memory_space<vmem>> -> memref<128x128xf32, #tpu.memory_space<vmem>>
      %dma_start3A_189 = arith.constant 0 : i32
      %dma_start3A_190 = tpu.memref_slice %arg4[%add3A_183, %dma_start3A_189] : memref<204800x128xf32, #tpu.memory_space<hbm>> -> memref<128x128xf32, #tpu.memory_space<hbm>>
      %dma_start3A_191 = arith.constant 0 : i32
      %dma_start3A_192 = tpu.memref_slice %arg4[%add3A_183, %dma_start3A_191] : memref<204800x128xf32, #tpu.memory_space<hbm>> -> memref<128x128xf32, #tpu.memory_space<hbm>>
      %dma_start3A_193 = arith.constant 0 : i32
      %dma_start3A_194 = arith.constant 0 : i32
      %dma_start3A_195 = tpu.memref_slice %arg6[%dma_start3A_184, %dma_start3A_193, %dma_start3A_194] : memref<2x128x128xf32, #tpu.memory_space<vmem>> -> memref<1x128x128xf32, #tpu.memory_space<vmem>>
      %dma_start3A_196 = tpu.memref_squeeze %dma_start3A_195 : memref<1x128x128xf32, #tpu.memory_space<vmem>> -> memref<128x128xf32, #tpu.memory_space<vmem>>
      tpu.enqueue_dma source(%dma_start3A_196 : memref<128x128xf32, #tpu.memory_space<vmem>>) target(%dma_start3A_192 : memref<128x128xf32, #tpu.memory_space<hbm>>) target_semaphore(%arg10 : memref<!tpu.dma_semaphore, #tpu.memory_space<semaphore_mem>>)
      %dma_wait3A_197 = arith.constant 1 : i32
      %dma_wait3A_198 = arith.constant 0 : i32
      %dma_wait3A_199 = arith.constant 0 : i32
      %dma_wait3A_200 = tpu.memref_slice %arg6[%dma_wait3A_197, %dma_wait3A_198, %dma_wait3A_199] : memref<2x128x128xf32, #tpu.memory_space<vmem>> -> memref<1x128x128xf32, #tpu.memory_space<vmem>>
      %dma_wait3A_201 = tpu.memref_squeeze %dma_wait3A_200 : memref<1x128x128xf32, #tpu.memory_space<vmem>> -> memref<128x128xf32, #tpu.memory_space<vmem>>
      %dma_wait3A_202 = arith.constant 0 : i32
      %dma_wait3A_203 = tpu.memref_slice %arg4[%mul3A_2, %dma_wait3A_202] : memref<204800x128xf32, #tpu.memory_space<hbm>> -> memref<128x128xf32, #tpu.memory_space<hbm>>
      %dma_wait3A_204 = arith.constant 0 : i32
      %dma_wait3A_205 = tpu.memref_slice %arg4[%mul3A_2, %dma_wait3A_204] : memref<204800x128xf32, #tpu.memory_space<hbm>> -> memref<128x128xf32, #tpu.memory_space<hbm>>
      %dma_wait3A_206 = arith.constant 0 : i32
      %dma_wait3A_207 = arith.constant 0 : i32
      %dma_wait3A_208 = tpu.memref_slice %arg6[%dma_wait3A_197, %dma_wait3A_206, %dma_wait3A_207] : memref<2x128x128xf32, #tpu.memory_space<vmem>> -> memref<1x128x128xf32, #tpu.memory_space<vmem>>
      %dma_wait3A_209 = tpu.memref_squeeze %dma_wait3A_208 : memref<1x128x128xf32, #tpu.memory_space<vmem>> -> memref<128x128xf32, #tpu.memory_space<vmem>>
      tpu.wait_dma2 semaphore(%arg10 : memref<!tpu.dma_semaphore, #tpu.memory_space<semaphore_mem>>) src(%dma_wait3A_209 : memref<128x128xf32, #tpu.memory_space<vmem>>) dst(%dma_wait3A_205 : memref<128x128xf32, #tpu.memory_space<hbm>>)
      %add3A_210 = arith.constant 3 : i32
      %add3A_211 = arith.addi %mul3A_112, %add3A_210 : i32
      %dma_start3A_212 = arith.constant 1 : i32
      %dma_start3A_213 = arith.constant 0 : i32
      %dma_start3A_214 = arith.constant 0 : i32
      %dma_start3A_215 = tpu.memref_slice %arg6[%dma_start3A_212, %dma_start3A_213, %dma_start3A_214] : memref<2x128x128xf32, #tpu.memory_space<vmem>> -> memref<1x128x128xf32, #tpu.memory_space<vmem>>
      %dma_start3A_216 = tpu.memref_squeeze %dma_start3A_215 : memref<1x128x128xf32, #tpu.memory_space<vmem>> -> memref<128x128xf32, #tpu.memory_space<vmem>>
      %dma_start3A_217 = arith.constant 0 : i32
      %dma_start3A_218 = tpu.memref_slice %arg5[%add3A_211, %dma_start3A_217] : memref<50x128xi32, #tpu.memory_space<vmem>> -> memref<1x128xi32, #tpu.memory_space<vmem>>
      %dma_start3A_219 = tpu.memref_squeeze %dma_start3A_218 : memref<1x128xi32, #tpu.memory_space<vmem>> -> memref<128xi32, #tpu.memory_space<vmem>>
      %dma_start3A_220 = arith.constant 0 : i32
      %dma_start3A_221 = arith.constant 0 : i32
      %dma_start3A_222 = tpu.memref_slice %arg2[%dma_start3A_220, %dma_start3A_221] : memref<100000x128xf32, #tpu.memory_space<hbm>> -> memref<100000x128xf32, #tpu.memory_space<hbm>>
      tpu.enqueue_indirect_dma source(%dma_start3A_222 : memref<100000x128xf32, #tpu.memory_space<hbm>>) target(%dma_start3A_216 : memref<128x128xf32, #tpu.memory_space<vmem>>) offsets(%dma_start3A_219 : memref<128xi32, #tpu.memory_space<vmem>>) semaphore(%arg8 : memref<!tpu.dma_semaphore, #tpu.memory_space<semaphore_mem>>)
    }
    %scan3A_30 = arith.constant 24 : i32
    %dma_wait3A = arith.constant 0 : i32
    %dma_wait3A_31 = arith.constant 0 : i32
    %dma_wait3A_32 = arith.constant 0 : i32
    %dma_wait3A_33 = arith.constant 0 : i32
    %dma_wait3A_34 = tpu.memref_slice %arg6[%dma_wait3A_31, %dma_wait3A_32, %dma_wait3A_33] : memref<2x128x128xf32, #tpu.memory_space<vmem>> -> memref<1x128x128xf32, #tpu.memory_space<vmem>>
    %dma_wait3A_35 = tpu.memref_squeeze %dma_wait3A_34 : memref<1x128x128xf32, #tpu.memory_space<vmem>> -> memref<128x128xf32, #tpu.memory_space<vmem>>
    %dma_wait3A_36 = arith.constant 0 : i32
    %dma_wait3A_37 = tpu.memref_slice %arg5[%dma_wait3A, %dma_wait3A_36] : memref<50x128xi32, #tpu.memory_space<vmem>> -> memref<1x128xi32, #tpu.memory_space<vmem>>
    %dma_wait3A_38 = tpu.memref_squeeze %dma_wait3A_37 : memref<1x128xi32, #tpu.memory_space<vmem>> -> memref<128xi32, #tpu.memory_space<vmem>>
    %dma_wait3A_39 = arith.constant 0 : i32
    %dma_wait3A_40 = arith.constant 0 : i32
    %dma_wait3A_41 = tpu.memref_slice %arg2[%dma_wait3A_39, %dma_wait3A_40] : memref<100000x128xf32, #tpu.memory_space<hbm>> -> memref<100000x128xf32, #tpu.memory_space<hbm>>
    tpu.wait_indirect_dma semaphore(%arg7 : memref<!tpu.dma_semaphore, #tpu.memory_space<semaphore_mem>>) src(%dma_wait3A_41 : memref<100000x128xf32, #tpu.memory_space<hbm>>) dst(%dma_wait3A_35 : memref<128x128xf32, #tpu.memory_space<vmem>>)
    %add3A_42 = arith.constant 6144 : i32
    %add3A_43 = arith.addi %mul3A_2, %add3A_42 : i32
    %dma_start3A_44 = arith.constant 0 : i32
    %dma_start3A_45 = arith.constant 0 : i32
    %dma_start3A_46 = arith.constant 0 : i32
    %dma_start3A_47 = tpu.memref_slice %arg6[%dma_start3A_44, %dma_start3A_45, %dma_start3A_46] : memref<2x128x128xf32, #tpu.memory_space<vmem>> -> memref<1x128x128xf32, #tpu.memory_space<vmem>>
    %dma_start3A_48 = tpu.memref_squeeze %dma_start3A_47 : memref<1x128x128xf32, #tpu.memory_space<vmem>> -> memref<128x128xf32, #tpu.memory_space<vmem>>
    %dma_start3A_49 = arith.constant 0 : i32
    %dma_start3A_50 = tpu.memref_slice %arg4[%add3A_43, %dma_start3A_49] : memref<204800x128xf32, #tpu.memory_space<hbm>> -> memref<128x128xf32, #tpu.memory_space<hbm>>
    %dma_start3A_51 = arith.constant 0 : i32
    %dma_start3A_52 = tpu.memref_slice %arg4[%add3A_43, %dma_start3A_51] : memref<204800x128xf32, #tpu.memory_space<hbm>> -> memref<128x128xf32, #tpu.memory_space<hbm>>
    %dma_start3A_53 = arith.constant 0 : i32
    %dma_start3A_54 = arith.constant 0 : i32
    %dma_start3A_55 = tpu.memref_slice %arg6[%dma_start3A_44, %dma_start3A_53, %dma_start3A_54] : memref<2x128x128xf32, #tpu.memory_space<vmem>> -> memref<1x128x128xf32, #tpu.memory_space<vmem>>
    %dma_start3A_56 = tpu.memref_squeeze %dma_start3A_55 : memref<1x128x128xf32, #tpu.memory_space<vmem>> -> memref<128x128xf32, #tpu.memory_space<vmem>>
    tpu.enqueue_dma source(%dma_start3A_56 : memref<128x128xf32, #tpu.memory_space<vmem>>) target(%dma_start3A_52 : memref<128x128xf32, #tpu.memory_space<hbm>>) target_semaphore(%arg9 : memref<!tpu.dma_semaphore, #tpu.memory_space<semaphore_mem>>)
    %dma_wait3A_57 = arith.constant 0 : i32
    %dma_wait3A_58 = arith.constant 0 : i32
    %dma_wait3A_59 = arith.constant 0 : i32
    %dma_wait3A_60 = tpu.memref_slice %arg6[%dma_wait3A_57, %dma_wait3A_58, %dma_wait3A_59] : memref<2x128x128xf32, #tpu.memory_space<vmem>> -> memref<1x128x128xf32, #tpu.memory_space<vmem>>
    %dma_wait3A_61 = tpu.memref_squeeze %dma_wait3A_60 : memref<1x128x128xf32, #tpu.memory_space<vmem>> -> memref<128x128xf32, #tpu.memory_space<vmem>>
    %dma_wait3A_62 = arith.constant 0 : i32
    %dma_wait3A_63 = tpu.memref_slice %arg4[%mul3A_2, %dma_wait3A_62] : memref<204800x128xf32, #tpu.memory_space<hbm>> -> memref<128x128xf32, #tpu.memory_space<hbm>>
    %dma_wait3A_64 = arith.constant 0 : i32
    %dma_wait3A_65 = tpu.memref_slice %arg4[%mul3A_2, %dma_wait3A_64] : memref<204800x128xf32, #tpu.memory_space<hbm>> -> memref<128x128xf32, #tpu.memory_space<hbm>>
    %dma_wait3A_66 = arith.constant 0 : i32
    %dma_wait3A_67 = arith.constant 0 : i32
    %dma_wait3A_68 = tpu.memref_slice %arg6[%dma_wait3A_57, %dma_wait3A_66, %dma_wait3A_67] : memref<2x128x128xf32, #tpu.memory_space<vmem>> -> memref<1x128x128xf32, #tpu.memory_space<vmem>>
    %dma_wait3A_69 = tpu.memref_squeeze %dma_wait3A_68 : memref<1x128x128xf32, #tpu.memory_space<vmem>> -> memref<128x128xf32, #tpu.memory_space<vmem>>
    tpu.wait_dma2 semaphore(%arg9 : memref<!tpu.dma_semaphore, #tpu.memory_space<semaphore_mem>>) src(%dma_wait3A_69 : memref<128x128xf32, #tpu.memory_space<vmem>>) dst(%dma_wait3A_65 : memref<128x128xf32, #tpu.memory_space<hbm>>)
    %dma_wait3A_70 = arith.constant 0 : i32
    %dma_wait3A_71 = arith.constant 1 : i32
    %dma_wait3A_72 = arith.constant 0 : i32
    %dma_wait3A_73 = arith.constant 0 : i32
    %dma_wait3A_74 = tpu.memref_slice %arg6[%dma_wait3A_71, %dma_wait3A_72, %dma_wait3A_73] : memref<2x128x128xf32, #tpu.memory_space<vmem>> -> memref<1x128x128xf32, #tpu.memory_space<vmem>>
    %dma_wait3A_75 = tpu.memref_squeeze %dma_wait3A_74 : memref<1x128x128xf32, #tpu.memory_space<vmem>> -> memref<128x128xf32, #tpu.memory_space<vmem>>
    %dma_wait3A_76 = arith.constant 0 : i32
    %dma_wait3A_77 = tpu.memref_slice %arg5[%dma_wait3A_70, %dma_wait3A_76] : memref<50x128xi32, #tpu.memory_space<vmem>> -> memref<1x128xi32, #tpu.memory_space<vmem>>
    %dma_wait3A_78 = tpu.memref_squeeze %dma_wait3A_77 : memref<1x128xi32, #tpu.memory_space<vmem>> -> memref<128xi32, #tpu.memory_space<vmem>>
    %dma_wait3A_79 = arith.constant 0 : i32
    %dma_wait3A_80 = arith.constant 0 : i32
    %dma_wait3A_81 = tpu.memref_slice %arg2[%dma_wait3A_79, %dma_wait3A_80] : memref<100000x128xf32, #tpu.memory_space<hbm>> -> memref<100000x128xf32, #tpu.memory_space<hbm>>
    tpu.wait_indirect_dma semaphore(%arg8 : memref<!tpu.dma_semaphore, #tpu.memory_space<semaphore_mem>>) src(%dma_wait3A_81 : memref<100000x128xf32, #tpu.memory_space<hbm>>) dst(%dma_wait3A_75 : memref<128x128xf32, #tpu.memory_space<vmem>>)
    %add3A_82 = arith.constant 6272 : i32
    %add3A_83 = arith.addi %mul3A_2, %add3A_82 : i32
    %dma_start3A_84 = arith.constant 1 : i32
    %dma_start3A_85 = arith.constant 0 : i32
    %dma_start3A_86 = arith.constant 0 : i32
    %dma_start3A_87 = tpu.memref_slice %arg6[%dma_start3A_84, %dma_start3A_85, %dma_start3A_86] : memref<2x128x128xf32, #tpu.memory_space<vmem>> -> memref<1x128x128xf32, #tpu.memory_space<vmem>>
    %dma_start3A_88 = tpu.memref_squeeze %dma_start3A_87 : memref<1x128x128xf32, #tpu.memory_space<vmem>> -> memref<128x128xf32, #tpu.memory_space<vmem>>
    %dma_start3A_89 = arith.constant 0 : i32
    %dma_start3A_90 = tpu.memref_slice %arg4[%add3A_83, %dma_start3A_89] : memref<204800x128xf32, #tpu.memory_space<hbm>> -> memref<128x128xf32, #tpu.memory_space<hbm>>
    %dma_start3A_91 = arith.constant 0 : i32
    %dma_start3A_92 = tpu.memref_slice %arg4[%add3A_83, %dma_start3A_91] : memref<204800x128xf32, #tpu.memory_space<hbm>> -> memref<128x128xf32, #tpu.memory_space<hbm>>
    %dma_start3A_93 = arith.constant 0 : i32
    %dma_start3A_94 = arith.constant 0 : i32
    %dma_start3A_95 = tpu.memref_slice %arg6[%dma_start3A_84, %dma_start3A_93, %dma_start3A_94] : memref<2x128x128xf32, #tpu.memory_space<vmem>> -> memref<1x128x128xf32, #tpu.memory_space<vmem>>
    %dma_start3A_96 = tpu.memref_squeeze %dma_start3A_95 : memref<1x128x128xf32, #tpu.memory_space<vmem>> -> memref<128x128xf32, #tpu.memory_space<vmem>>
    tpu.enqueue_dma source(%dma_start3A_96 : memref<128x128xf32, #tpu.memory_space<vmem>>) target(%dma_start3A_92 : memref<128x128xf32, #tpu.memory_space<hbm>>) target_semaphore(%arg10 : memref<!tpu.dma_semaphore, #tpu.memory_space<semaphore_mem>>)
    %dma_wait3A_97 = arith.constant 1 : i32
    %dma_wait3A_98 = arith.constant 0 : i32
    %dma_wait3A_99 = arith.constant 0 : i32
    %dma_wait3A_100 = tpu.memref_slice %arg6[%dma_wait3A_97, %dma_wait3A_98, %dma_wait3A_99] : memref<2x128x128xf32, #tpu.memory_space<vmem>> -> memref<1x128x128xf32, #tpu.memory_space<vmem>>
    %dma_wait3A_101 = tpu.memref_squeeze %dma_wait3A_100 : memref<1x128x128xf32, #tpu.memory_space<vmem>> -> memref<128x128xf32, #tpu.memory_space<vmem>>
    %dma_wait3A_102 = arith.constant 0 : i32
    %dma_wait3A_103 = tpu.memref_slice %arg4[%mul3A_2, %dma_wait3A_102] : memref<204800x128xf32, #tpu.memory_space<hbm>> -> memref<128x128xf32, #tpu.memory_space<hbm>>
    %dma_wait3A_104 = arith.constant 0 : i32
    %dma_wait3A_105 = tpu.memref_slice %arg4[%mul3A_2, %dma_wait3A_104] : memref<204800x128xf32, #tpu.memory_space<hbm>> -> memref<128x128xf32, #tpu.memory_space<hbm>>
    %dma_wait3A_106 = arith.constant 0 : i32
    %dma_wait3A_107 = arith.constant 0 : i32
    %dma_wait3A_108 = tpu.memref_slice %arg6[%dma_wait3A_97, %dma_wait3A_106, %dma_wait3A_107] : memref<2x128x128xf32, #tpu.memory_space<vmem>> -> memref<1x128x128xf32, #tpu.memory_space<vmem>>
    %dma_wait3A_109 = tpu.memref_squeeze %dma_wait3A_108 : memref<1x128x128xf32, #tpu.memory_space<vmem>> -> memref<128x128xf32, #tpu.memory_space<vmem>>
    tpu.wait_dma2 semaphore(%arg10 : memref<!tpu.dma_semaphore, #tpu.memory_space<semaphore_mem>>) src(%dma_wait3A_109 : memref<128x128xf32, #tpu.memory_space<vmem>>) dst(%dma_wait3A_105 : memref<128x128xf32, #tpu.memory_space<hbm>>)
    return
  }
}

module attributes {stable_mosaic.version = 14 : i64} {
  func.func @_l0_body(%arg0: i32, %arg1: memref<1x1024x128xf32, #tpu.memory_space<vmem>>, %arg2: memref<1x1024x128xf32, #tpu.memory_space<vmem>>, %arg3: memref<1024x200xi32, #tpu.memory_space<vmem>>, %arg4: memref<128x192xf32, #tpu.memory_space<vmem>>, %arg5: memref<64x192xf32, #tpu.memory_space<vmem>>, %arg6: memref<1x192xf32, #tpu.memory_space<vmem>>, %arg7: memref<1x192xf32, #tpu.memory_space<vmem>>, %arg8: memref<128x192xf32, #tpu.memory_space<vmem>>, %arg9: memref<64x192xf32, #tpu.memory_space<vmem>>, %arg10: memref<1x192xf32, #tpu.memory_space<vmem>>, %arg11: memref<1x192xf32, #tpu.memory_space<vmem>>, %arg12: memref<1x1024x64xf32, #tpu.memory_space<vmem>>, %arg13: memref<1x1024x64xf32, #tpu.memory_space<vmem>>, %arg14: memref<1024x64xf32, #tpu.memory_space<vmem>>, %arg15: memref<1024x64xf32, #tpu.memory_space<vmem>>, %arg16: memref<1024x1xi32, #tpu.memory_space<vmem>>, %arg17: memref<1024x64xf32, #tpu.memory_space<vmem>>, %arg18: memref<1024x64xf32, #tpu.memory_space<vmem>>, %arg19: memref<1024x1xi32, #tpu.memory_space<vmem>>) attributes {dimension_semantics = [#tpu.dimension_semantics<arbitrary>], iteration_bounds = array<i64: 200>, scalar_prefetch = 0 : i64, scratch_operands = 3 : i64, tpu.core_type = #tpu.core_type<tc>, window_params = [{transform_indices = @transform_0, window_bounds = array<i64: 1, 1024, 128>}, {transform_indices = @transform_1, window_bounds = array<i64: 1, 1024, 128>}, {pipeline_mode = #tpu.pipeline_mode<synchronous>, transform_indices = @transform_2, window_bounds = array<i64: 1024, 200>}, {pipeline_mode = #tpu.pipeline_mode<synchronous>, transform_indices = @transform_3, window_bounds = array<i64: 128, 192>}, {pipeline_mode = #tpu.pipeline_mode<synchronous>, transform_indices = @transform_4, window_bounds = array<i64: 64, 192>}, {pipeline_mode = #tpu.pipeline_mode<synchronous>, transform_indices = @transform_5, window_bounds = array<i64: 1, 192>}, {pipeline_mode = #tpu.pipeline_mode<synchronous>, transform_indices = @transform_6, window_bounds = array<i64: 1, 192>}, {pipeline_mode = #tpu.pipeline_mode<synchronous>, transform_indices = @transform_7, window_bounds = array<i64: 128, 192>}, {pipeline_mode = #tpu.pipeline_mode<synchronous>, transform_indices = @transform_8, window_bounds = array<i64: 64, 192>}, {pipeline_mode = #tpu.pipeline_mode<synchronous>, transform_indices = @transform_9, window_bounds = array<i64: 1, 192>}, {pipeline_mode = #tpu.pipeline_mode<synchronous>, transform_indices = @transform_10, window_bounds = array<i64: 1, 192>}, {transform_indices = @transform_11, window_bounds = array<i64: 1, 1024, 64>}, {transform_indices = @transform_12, window_bounds = array<i64: 1, 1024, 64>}, {pipeline_mode = #tpu.pipeline_mode<synchronous>, transform_indices = @transform_13, window_bounds = array<i64: 1024, 64>}, {pipeline_mode = #tpu.pipeline_mode<synchronous>, transform_indices = @transform_14, window_bounds = array<i64: 1024, 64>}, {pipeline_mode = #tpu.pipeline_mode<synchronous>, transform_indices = @transform_15, window_bounds = array<i64: 1024, 1>}]} {
    %eq3A = arith.constant 0 : i32
    %eq3A_0 = arith.cmpi eq, %arg0, %eq3A : i32
    %convert_element_type3A = arith.extui %eq3A_0 : i1 to i32
    %cond3A = arith.constant 0 : i32
    %cond3A_1 = arith.cmpi ne, %convert_element_type3A, %cond3A : i32
    scf.if %cond3A_1 {
      %broadcast_in_dim3A_142 = arith.constant 0.000000e+00 : f32
      %broadcast_in_dim3A_143 = vector.broadcast %broadcast_in_dim3A_142 : f32 to vector<1024x64xf32>
      %swap3A_144 = arith.constant 0 : index
      %swap3A_145 = arith.constant 0 : index
      %swap3A_146 = vector.load %arg17[%swap3A_144, %swap3A_145] : memref<1024x64xf32, #tpu.memory_space<vmem>>, vector<1024x64xf32>
      tpu.vector_store %arg17[%swap3A_144, %swap3A_145], %broadcast_in_dim3A_143 {strides = array<i32>} : memref<1024x64xf32, #tpu.memory_space<vmem>>, vector<1024x64xf32>,
      %broadcast_in_dim3A_147 = arith.constant 0.000000e+00 : f32
      %broadcast_in_dim3A_148 = vector.broadcast %broadcast_in_dim3A_147 : f32 to vector<1024x64xf32>
      %swap3A_149 = arith.constant 0 : index
      %swap3A_150 = arith.constant 0 : index
      %swap3A_151 = vector.load %arg18[%swap3A_149, %swap3A_150] : memref<1024x64xf32, #tpu.memory_space<vmem>>, vector<1024x64xf32>
      tpu.vector_store %arg18[%swap3A_149, %swap3A_150], %broadcast_in_dim3A_148 {strides = array<i32>} : memref<1024x64xf32, #tpu.memory_space<vmem>>, vector<1024x64xf32>,
      %get3A_152 = arith.constant 0 : index
      %get3A_153 = arith.constant 0 : index
      %get3A_154 = vector.load %arg3[%get3A_152, %get3A_153] : memref<1024x200xi32, #tpu.memory_space<vmem>>, vector<1024x200xi32>
      %ne3A = arith.constant 0 : i32
      %ne3A_155 = vector.broadcast %ne3A : i32 to vector<1024x200xi32>
      %ne3A_156 = arith.cmpi ne, %get3A_154, %ne3A_155 : vector<1024x200xi32>
      %convert_element_type3A_157 = arith.extui %ne3A_156 : vector<1024x200xi1> to vector<1024x200xi32>
      %reduce_sum3A = arith.constant dense<0> : vector<1024xi32>
      %reduce_sum3A_158 = vector.multi_reduction <add>, %convert_element_type3A_157, %reduce_sum3A [1] : vector<1024x200xi32> to vector<1024xi32>
      %broadcast_in_dim3A_159 = vector.shape_cast %reduce_sum3A_158 : vector<1024xi32> to vector<1024x1xi32>
      %swap3A_160 = arith.constant 0 : index
      %swap3A_161 = arith.constant 0 : index
      %swap3A_162 = vector.load %arg19[%swap3A_160, %swap3A_161] : memref<1024x1xi32, #tpu.memory_space<vmem>>, vector<1024x1xi32>
      tpu.vector_store %arg19[%swap3A_160, %swap3A_161], %broadcast_in_dim3A_159 {strides = array<i32>} : memref<1024x1xi32, #tpu.memory_space<vmem>>, vector<1024x1xi32>,
      %get3A_163 = arith.constant 0 : index
      %get3A_164 = arith.constant 0 : index
      %get3A_165 = vector.load %arg19[%get3A_163, %get3A_164] : memref<1024x1xi32, #tpu.memory_space<vmem>>, vector<1024x1xi32>
      %swap3A_166 = arith.constant 0 : index
      %swap3A_167 = arith.constant 0 : index
      %swap3A_168 = vector.load %arg16[%swap3A_166, %swap3A_167] : memref<1024x1xi32, #tpu.memory_space<vmem>>, vector<1024x1xi32>
      tpu.vector_store %arg16[%swap3A_166, %swap3A_167], %get3A_165 {strides = array<i32>} : memref<1024x1xi32, #tpu.memory_space<vmem>>, vector<1024x1xi32>,
    } else {
    }
    %get3A = arith.constant 0 : index
    %get3A_2 = arith.constant 0 : index
    %get3A_3 = vector.load %arg19[%get3A, %get3A_2] : memref<1024x1xi32, #tpu.memory_space<vmem>>, vector<1024x1xi32>
    %get3A_4 = arith.constant 0 : index
    %get3A_5 = arith.constant 0 : index
    %get3A_6 = vector.load %arg17[%get3A_4, %get3A_5] : memref<1024x64xf32, #tpu.memory_space<vmem>>, vector<1024x64xf32>
    %get3A_7 = arith.constant 0 : index
    %get3A_8 = arith.constant 0 : index
    %get3A_9 = arith.constant 0 : index
    %get3A_10 = vector.load %arg1[%get3A_7, %get3A_8, %get3A_9] : memref<1x1024x128xf32, #tpu.memory_space<vmem>>, vector<1x1024x128xf32>
    %get3A_11 = vector.shape_cast %get3A_10 : vector<1x1024x128xf32> to vector<1024x128xf32>
    %get3A_12 = arith.constant 0 : index
    %get3A_13 = arith.constant 0 : index
    %get3A_14 = vector.load %arg4[%get3A_12, %get3A_13] : memref<128x192xf32, #tpu.memory_space<vmem>>, vector<128x192xf32>
    %dot_general3A = arith.constant dense<0.000000e+00> : vector<1024x192xf32>
    %dot_general3A_15 = tpu.matmul %get3A_11, %get3A_14, %dot_general3A {dimension_numbers = #tpu.dot_dimension_numbers<[1], [0], [0], [1], [0, 0, 1, 1], [], []>, transpose_lhs_hint = false} : vector<1024x128xf32>, vector<128x192xf32>, vector<1024x192xf32> -> vector<1024x192xf32>
    %get3A_16 = arith.constant 0 : index
    %get3A_17 = arith.constant 0 : index
    %get3A_18 = vector.load %arg6[%get3A_16, %get3A_17] : memref<1x192xf32, #tpu.memory_space<vmem>>, vector<1x192xf32>
    %add3A = vector.broadcast %get3A_18 : vector<1x192xf32> to vector<1024x192xf32>
    %add3A_19 = arith.addf %dot_general3A_15, %add3A : vector<1024x192xf32>
    %get3A_20 = arith.constant 0 : index
    %get3A_21 = arith.constant 0 : index
    %get3A_22 = vector.load %arg5[%get3A_20, %get3A_21] : memref<64x192xf32, #tpu.memory_space<vmem>>, vector<64x192xf32>
    %get3A_23 = arith.constant 0 : index
    %get3A_24 = arith.constant 0 : index
    %get3A_25 = vector.load %arg7[%get3A_23, %get3A_24] : memref<1x192xf32, #tpu.memory_space<vmem>>, vector<1x192xf32>
    %dot_general3A_26 = arith.constant dense<0.000000e+00> : vector<1024x192xf32>
    %dot_general3A_27 = tpu.matmul %get3A_6, %get3A_22, %dot_general3A_26 {dimension_numbers = #tpu.dot_dimension_numbers<[1], [0], [0], [1], [0, 0, 1, 1], [], []>, transpose_lhs_hint = false} : vector<1024x64xf32>, vector<64x192xf32>, vector<1024x192xf32> -> vector<1024x192xf32>
    %add3A_28 = vector.broadcast %get3A_25 : vector<1x192xf32> to vector<1024x192xf32>
    %add3A_29 = arith.addf %dot_general3A_27, %add3A_28 : vector<1024x192xf32>
    %slice3A = vector.extract_strided_slice %add3A_19 {offsets = [0, 0], sizes = [1024, 64], strides = [1, 1]} : vector<1024x192xf32> to vector<1024x64xf32>
    %slice3A_30 = vector.extract_strided_slice %add3A_19 {offsets = [0, 64], sizes = [1024, 64], strides = [1, 1]} : vector<1024x192xf32> to vector<1024x64xf32>
    %slice3A_31 = vector.extract_strided_slice %add3A_19 {offsets = [0, 128], sizes = [1024, 64], strides = [1, 1]} : vector<1024x192xf32> to vector<1024x64xf32>
    %slice3A_32 = vector.extract_strided_slice %add3A_29 {offsets = [0, 0], sizes = [1024, 64], strides = [1, 1]} : vector<1024x192xf32> to vector<1024x64xf32>
    %slice3A_33 = vector.extract_strided_slice %add3A_29 {offsets = [0, 64], sizes = [1024, 64], strides = [1, 1]} : vector<1024x192xf32> to vector<1024x64xf32>
    %slice3A_34 = vector.extract_strided_slice %add3A_29 {offsets = [0, 128], sizes = [1024, 64], strides = [1, 1]} : vector<1024x192xf32> to vector<1024x64xf32>
    %add3A_35 = arith.addf %slice3A, %slice3A_32 : vector<1024x64xf32>
    %logistic3A = arith.negf %add3A_35 : vector<1024x64xf32>
    %logistic3A_36 = math.exp %logistic3A : vector<1024x64xf32>
    %logistic3A_37 = arith.constant 1.000000e+00 : f32
    %logistic3A_38 = vector.broadcast %logistic3A_37 : f32 to vector<1024x64xf32>
    %logistic3A_39 = arith.addf %logistic3A_38, %logistic3A_36 : vector<1024x64xf32>
    %logistic3A_40 = arith.divf %logistic3A_38, %logistic3A_39 : vector<1024x64xf32>
    %add3A_41 = arith.addf %slice3A_30, %slice3A_33 : vector<1024x64xf32>
    %logistic3A_42 = arith.negf %add3A_41 : vector<1024x64xf32>
    %logistic3A_43 = math.exp %logistic3A_42 : vector<1024x64xf32>
    %logistic3A_44 = arith.constant 1.000000e+00 : f32
    %logistic3A_45 = vector.broadcast %logistic3A_44 : f32 to vector<1024x64xf32>
    %logistic3A_46 = arith.addf %logistic3A_45, %logistic3A_43 : vector<1024x64xf32>
    %logistic3A_47 = arith.divf %logistic3A_45, %logistic3A_46 : vector<1024x64xf32>
    %mul3A = arith.mulf %logistic3A_40, %slice3A_34 : vector<1024x64xf32>
    %add3A_48 = arith.addf %slice3A_31, %mul3A : vector<1024x64xf32>
    %tanh3A = math.tanh %add3A_48 : vector<1024x64xf32>
    %sub3A = arith.constant 1.000000e+00 : f32
    %sub3A_49 = vector.broadcast %sub3A : f32 to vector<1024x64xf32>
    %sub3A_50 = arith.subf %sub3A_49, %logistic3A_47 : vector<1024x64xf32>
    %mul3A_51 = arith.mulf %sub3A_50, %tanh3A : vector<1024x64xf32>
    %mul3A_52 = arith.mulf %logistic3A_47, %get3A_6 : vector<1024x64xf32>
    %add3A_53 = arith.addf %mul3A_51, %mul3A_52 : vector<1024x64xf32>
    %lt3A = vector.broadcast %arg0 : i32 to vector<1024x1xi32>
    %lt3A_54 = arith.cmpi slt, %lt3A, %get3A_3 : vector<1024x1xi32>
    %broadcast_in_dim3A = vector.shape_cast %lt3A_54 : vector<1024x1xi1> to vector<1024x1xi1>
    %broadcast_in_dim3A_55 = vector.broadcast %broadcast_in_dim3A : vector<1024x1xi1> to vector<1024x64xi1>
    %select_n3A = arith.select %broadcast_in_dim3A_55, %add3A_53, %get3A_6 : vector<1024x64xi1>, vector<1024x64xf32>
    %swap3A = arith.constant 0 : index
    %swap3A_56 = arith.constant 0 : index
    %swap3A_57 = vector.load %arg17[%swap3A, %swap3A_56] : memref<1024x64xf32, #tpu.memory_space<vmem>>, vector<1024x64xf32>
    tpu.vector_store %arg17[%swap3A, %swap3A_56], %select_n3A {strides = array<i32>} : memref<1024x64xf32, #tpu.memory_space<vmem>>, vector<1024x64xf32>,
    %swap3A_58 = arith.constant 0 : index
    %swap3A_59 = arith.constant 0 : index
    %swap3A_60 = arith.constant 0 : index
    %swap3A_61 = vector.load %arg12[%swap3A_58, %swap3A_59, %swap3A_60] : memref<1x1024x64xf32, #tpu.memory_space<vmem>>, vector<1x1024x64xf32>
    %swap3A_62 = vector.shape_cast %swap3A_61 : vector<1x1024x64xf32> to vector<1024x64xf32>
    %swap3A_63 = vector.shape_cast %select_n3A : vector<1024x64xf32> to vector<1x1024x64xf32>
    tpu.vector_store %arg12[%swap3A_58, %swap3A_59, %swap3A_60], %swap3A_63 {strides = array<i32>} : memref<1x1024x64xf32, #tpu.memory_space<vmem>>, vector<1x1024x64xf32>,
    %get3A_64 = arith.constant 0 : index
    %get3A_65 = arith.constant 0 : index
    %get3A_66 = vector.load %arg18[%get3A_64, %get3A_65] : memref<1024x64xf32, #tpu.memory_space<vmem>>, vector<1024x64xf32>
    %get3A_67 = arith.constant 0 : index
    %get3A_68 = arith.constant 0 : index
    %get3A_69 = arith.constant 0 : index
    %get3A_70 = vector.load %arg2[%get3A_67, %get3A_68, %get3A_69] : memref<1x1024x128xf32, #tpu.memory_space<vmem>>, vector<1x1024x128xf32>
    %get3A_71 = vector.shape_cast %get3A_70 : vector<1x1024x128xf32> to vector<1024x128xf32>
    %get3A_72 = arith.constant 0 : index
    %get3A_73 = arith.constant 0 : index
    %get3A_74 = vector.load %arg8[%get3A_72, %get3A_73] : memref<128x192xf32, #tpu.memory_space<vmem>>, vector<128x192xf32>
    %dot_general3A_75 = arith.constant dense<0.000000e+00> : vector<1024x192xf32>
    %dot_general3A_76 = tpu.matmul %get3A_71, %get3A_74, %dot_general3A_75 {dimension_numbers = #tpu.dot_dimension_numbers<[1], [0], [0], [1], [0, 0, 1, 1], [], []>, transpose_lhs_hint = false} : vector<1024x128xf32>, vector<128x192xf32>, vector<1024x192xf32> -> vector<1024x192xf32>
    %get3A_77 = arith.constant 0 : index
    %get3A_78 = arith.constant 0 : index
    %get3A_79 = vector.load %arg10[%get3A_77, %get3A_78] : memref<1x192xf32, #tpu.memory_space<vmem>>, vector<1x192xf32>
    %add3A_80 = vector.broadcast %get3A_79 : vector<1x192xf32> to vector<1024x192xf32>
    %add3A_81 = arith.addf %dot_general3A_76, %add3A_80 : vector<1024x192xf32>
    %get3A_82 = arith.constant 0 : index
    %get3A_83 = arith.constant 0 : index
    %get3A_84 = vector.load %arg9[%get3A_82, %get3A_83] : memref<64x192xf32, #tpu.memory_space<vmem>>, vector<64x192xf32>
    %get3A_85 = arith.constant 0 : index
    %get3A_86 = arith.constant 0 : index
    %get3A_87 = vector.load %arg11[%get3A_85, %get3A_86] : memref<1x192xf32, #tpu.memory_space<vmem>>, vector<1x192xf32>
    %dot_general3A_88 = arith.constant dense<0.000000e+00> : vector<1024x192xf32>
    %dot_general3A_89 = tpu.matmul %get3A_66, %get3A_84, %dot_general3A_88 {dimension_numbers = #tpu.dot_dimension_numbers<[1], [0], [0], [1], [0, 0, 1, 1], [], []>, transpose_lhs_hint = false} : vector<1024x64xf32>, vector<64x192xf32>, vector<1024x192xf32> -> vector<1024x192xf32>
    %add3A_90 = vector.broadcast %get3A_87 : vector<1x192xf32> to vector<1024x192xf32>
    %add3A_91 = arith.addf %dot_general3A_89, %add3A_90 : vector<1024x192xf32>
    %slice3A_92 = vector.extract_strided_slice %add3A_81 {offsets = [0, 0], sizes = [1024, 64], strides = [1, 1]} : vector<1024x192xf32> to vector<1024x64xf32>
    %slice3A_93 = vector.extract_strided_slice %add3A_81 {offsets = [0, 64], sizes = [1024, 64], strides = [1, 1]} : vector<1024x192xf32> to vector<1024x64xf32>
    %slice3A_94 = vector.extract_strided_slice %add3A_81 {offsets = [0, 128], sizes = [1024, 64], strides = [1, 1]} : vector<1024x192xf32> to vector<1024x64xf32>
    %slice3A_95 = vector.extract_strided_slice %add3A_91 {offsets = [0, 0], sizes = [1024, 64], strides = [1, 1]} : vector<1024x192xf32> to vector<1024x64xf32>
    %slice3A_96 = vector.extract_strided_slice %add3A_91 {offsets = [0, 64], sizes = [1024, 64], strides = [1, 1]} : vector<1024x192xf32> to vector<1024x64xf32>
    %slice3A_97 = vector.extract_strided_slice %add3A_91 {offsets = [0, 128], sizes = [1024, 64], strides = [1, 1]} : vector<1024x192xf32> to vector<1024x64xf32>
    %add3A_98 = arith.addf %slice3A_92, %slice3A_95 : vector<1024x64xf32>
    %logistic3A_99 = arith.negf %add3A_98 : vector<1024x64xf32>
    %logistic3A_100 = math.exp %logistic3A_99 : vector<1024x64xf32>
    %logistic3A_101 = arith.constant 1.000000e+00 : f32
    %logistic3A_102 = vector.broadcast %logistic3A_101 : f32 to vector<1024x64xf32>
    %logistic3A_103 = arith.addf %logistic3A_102, %logistic3A_100 : vector<1024x64xf32>
    %logistic3A_104 = arith.divf %logistic3A_102, %logistic3A_103 : vector<1024x64xf32>
    %add3A_105 = arith.addf %slice3A_93, %slice3A_96 : vector<1024x64xf32>
    %logistic3A_106 = arith.negf %add3A_105 : vector<1024x64xf32>
    %logistic3A_107 = math.exp %logistic3A_106 : vector<1024x64xf32>
    %logistic3A_108 = arith.constant 1.000000e+00 : f32
    %logistic3A_109 = vector.broadcast %logistic3A_108 : f32 to vector<1024x64xf32>
    %logistic3A_110 = arith.addf %logistic3A_109, %logistic3A_107 : vector<1024x64xf32>
    %logistic3A_111 = arith.divf %logistic3A_109, %logistic3A_110 : vector<1024x64xf32>
    %mul3A_112 = arith.mulf %logistic3A_104, %slice3A_97 : vector<1024x64xf32>
    %add3A_113 = arith.addf %slice3A_94, %mul3A_112 : vector<1024x64xf32>
    %tanh3A_114 = math.tanh %add3A_113 : vector<1024x64xf32>
    %sub3A_115 = arith.constant 1.000000e+00 : f32
    %sub3A_116 = vector.broadcast %sub3A_115 : f32 to vector<1024x64xf32>
    %sub3A_117 = arith.subf %sub3A_116, %logistic3A_111 : vector<1024x64xf32>
    %mul3A_118 = arith.mulf %sub3A_117, %tanh3A_114 : vector<1024x64xf32>
    %mul3A_119 = arith.mulf %logistic3A_111, %get3A_66 : vector<1024x64xf32>
    %add3A_120 = arith.addf %mul3A_118, %mul3A_119 : vector<1024x64xf32>
    %sub3A_121 = arith.constant 199 : i32
    %sub3A_122 = arith.subi %sub3A_121, %arg0 : i32
    %lt3A_123 = vector.broadcast %sub3A_122 : i32 to vector<1024x1xi32>
    %lt3A_124 = arith.cmpi slt, %lt3A_123, %get3A_3 : vector<1024x1xi32>
    %broadcast_in_dim3A_125 = vector.shape_cast %lt3A_124 : vector<1024x1xi1> to vector<1024x1xi1>
    %broadcast_in_dim3A_126 = vector.broadcast %broadcast_in_dim3A_125 : vector<1024x1xi1> to vector<1024x64xi1>
    %select_n3A_127 = arith.select %broadcast_in_dim3A_126, %add3A_120, %get3A_66 : vector<1024x64xi1>, vector<1024x64xf32>
    %swap3A_128 = arith.constant 0 : index
    %swap3A_129 = arith.constant 0 : index
    %swap3A_130 = vector.load %arg18[%swap3A_128, %swap3A_129] : memref<1024x64xf32, #tpu.memory_space<vmem>>, vector<1024x64xf32>
    tpu.vector_store %arg18[%swap3A_128, %swap3A_129], %select_n3A_127 {strides = array<i32>} : memref<1024x64xf32, #tpu.memory_space<vmem>>, vector<1024x64xf32>,
    %swap3A_131 = arith.constant 0 : index
    %swap3A_132 = arith.constant 0 : index
    %swap3A_133 = arith.constant 0 : index
    %swap3A_134 = vector.load %arg13[%swap3A_131, %swap3A_132, %swap3A_133] : memref<1x1024x64xf32, #tpu.memory_space<vmem>>, vector<1x1024x64xf32>
    %swap3A_135 = vector.shape_cast %swap3A_134 : vector<1x1024x64xf32> to vector<1024x64xf32>
    %swap3A_136 = vector.shape_cast %select_n3A_127 : vector<1024x64xf32> to vector<1x1024x64xf32>
    tpu.vector_store %arg13[%swap3A_131, %swap3A_132, %swap3A_133], %swap3A_136 {strides = array<i32>} : memref<1x1024x64xf32, #tpu.memory_space<vmem>>, vector<1x1024x64xf32>,
    %eq3A_137 = arith.constant 199 : i32
    %eq3A_138 = arith.cmpi eq, %arg0, %eq3A_137 : i32
    %convert_element_type3A_139 = arith.extui %eq3A_138 : i1 to i32
    %cond3A_140 = arith.constant 0 : i32
    %cond3A_141 = arith.cmpi ne, %convert_element_type3A_139, %cond3A_140 : i32
    scf.if %cond3A_141 {
      %swap3A_142 = arith.constant 0 : index
      %swap3A_143 = arith.constant 0 : index
      %swap3A_144 = vector.load %arg14[%swap3A_142, %swap3A_143] : memref<1024x64xf32, #tpu.memory_space<vmem>>, vector<1024x64xf32>
      tpu.vector_store %arg14[%swap3A_142, %swap3A_143], %select_n3A {strides = array<i32>} : memref<1024x64xf32, #tpu.memory_space<vmem>>, vector<1024x64xf32>,
      %swap3A_145 = arith.constant 0 : index
      %swap3A_146 = arith.constant 0 : index
      %swap3A_147 = vector.load %arg15[%swap3A_145, %swap3A_146] : memref<1024x64xf32, #tpu.memory_space<vmem>>, vector<1024x64xf32>
      tpu.vector_store %arg15[%swap3A_145, %swap3A_146], %select_n3A_127 {strides = array<i32>} : memref<1024x64xf32, #tpu.memory_space<vmem>>, vector<1024x64xf32>,
    } else {
    }
    return
  }
  func.func @transform_0(%arg0: i32) -> (i32, i32, i32) {
    %c0_i32 = arith.constant 0 : i32
    %c0_i32_0 = arith.constant 0 : i32
    %c0_i32_1 = arith.constant 0 : i32
    return %arg0, %c0_i32, %c0_i32_0 : i32, i32, i32
  }
  func.func @transform_1(%arg0: i32) -> (i32, i32, i32) {
    %sub3A = arith.constant 199 : i32
    %sub3A_0 = arith.subi %sub3A, %arg0 : i32
    %c0_i32 = arith.constant 0 : i32
    %c0_i32_1 = arith.constant 0 : i32
    %c0_i32_2 = arith.constant 0 : i32
    return %sub3A_0, %c0_i32, %c0_i32_1 : i32, i32, i32
  }
  func.func @transform_2(%arg0: i32) -> (i32, i32) {
    %c0_i32 = arith.constant 0 : i32
    %c0_i32_0 = arith.constant 0 : i32
    %c0_i32_1 = arith.constant 0 : i32
    return %c0_i32, %c0_i32_0 : i32, i32
  }
  func.func @transform_3(%arg0: i32) -> (i32, i32) {
    %c0_i32 = arith.constant 0 : i32
    %c0_i32_0 = arith.constant 0 : i32
    %c0_i32_1 = arith.constant 0 : i32
    return %c0_i32, %c0_i32_0 : i32, i32
  }
  func.func @transform_4(%arg0: i32) -> (i32, i32) {
    %c0_i32 = arith.constant 0 : i32
    %c0_i32_0 = arith.constant 0 : i32
    %c0_i32_1 = arith.constant 0 : i32
    return %c0_i32, %c0_i32_0 : i32, i32
  }
  func.func @transform_5(%arg0: i32) -> (i32, i32) {
    %c0_i32 = arith.constant 0 : i32
    %c0_i32_0 = arith.constant 0 : i32
    %c0_i32_1 = arith.constant 0 : i32
    return %c0_i32, %c0_i32_0 : i32, i32
  }
  func.func @transform_6(%arg0: i32) -> (i32, i32) {
    %c0_i32 = arith.constant 0 : i32
    %c0_i32_0 = arith.constant 0 : i32
    %c0_i32_1 = arith.constant 0 : i32
    return %c0_i32, %c0_i32_0 : i32, i32
  }
  func.func @transform_7(%arg0: i32) -> (i32, i32) {
    %c0_i32 = arith.constant 0 : i32
    %c0_i32_0 = arith.constant 0 : i32
    %c0_i32_1 = arith.constant 0 : i32
    return %c0_i32, %c0_i32_0 : i32, i32
  }
  func.func @transform_8(%arg0: i32) -> (i32, i32) {
    %c0_i32 = arith.constant 0 : i32
    %c0_i32_0 = arith.constant 0 : i32
    %c0_i32_1 = arith.constant 0 : i32
    return %c0_i32, %c0_i32_0 : i32, i32
  }
  func.func @transform_9(%arg0: i32) -> (i32, i32) {
    %c0_i32 = arith.constant 0 : i32
    %c0_i32_0 = arith.constant 0 : i32
    %c0_i32_1 = arith.constant 0 : i32
    return %c0_i32, %c0_i32_0 : i32, i32
  }
  func.func @transform_10(%arg0: i32) -> (i32, i32) {
    %c0_i32 = arith.constant 0 : i32
    %c0_i32_0 = arith.constant 0 : i32
    %c0_i32_1 = arith.constant 0 : i32
    return %c0_i32, %c0_i32_0 : i32, i32
  }
  func.func @transform_11(%arg0: i32) -> (i32, i32, i32) {
    %c0_i32 = arith.constant 0 : i32
    %c0_i32_0 = arith.constant 0 : i32
    %c0_i32_1 = arith.constant 0 : i32
    return %arg0, %c0_i32, %c0_i32_0 : i32, i32, i32
  }
  func.func @transform_12(%arg0: i32) -> (i32, i32, i32) {
    %sub3A = arith.constant 199 : i32
    %sub3A_0 = arith.subi %sub3A, %arg0 : i32
    %c0_i32 = arith.constant 0 : i32
    %c0_i32_1 = arith.constant 0 : i32
    %c0_i32_2 = arith.constant 0 : i32
    return %sub3A_0, %c0_i32, %c0_i32_1 : i32, i32, i32
  }
  func.func @transform_13(%arg0: i32) -> (i32, i32) {
    %c0_i32 = arith.constant 0 : i32
    %c0_i32_0 = arith.constant 0 : i32
    %c0_i32_1 = arith.constant 0 : i32
    return %c0_i32, %c0_i32_0 : i32, i32
  }
  func.func @transform_14(%arg0: i32) -> (i32, i32) {
    %c0_i32 = arith.constant 0 : i32
    %c0_i32_0 = arith.constant 0 : i32
    %c0_i32_1 = arith.constant 0 : i32
    return %c0_i32, %c0_i32_0 : i32, i32
  }
  func.func @transform_15(%arg0: i32) -> (i32, i32) {
    %c0_i32 = arith.constant 0 : i32
    %c0_i32_0 = arith.constant 0 : i32
    %c0_i32_1 = arith.constant 0 : i32
    return %c0_i32, %c0_i32_0 : i32, i32
  }
}

module attributes {stable_mosaic.version = 14 : i64} {
  func.func @_l1_body(%arg0: i32, %arg1: memref<1x1024x64xf32, #tpu.memory_space<vmem>>, %arg2: memref<1x1024x64xf32, #tpu.memory_space<vmem>>, %arg3: memref<1x1024x64xf32, #tpu.memory_space<vmem>>, %arg4: memref<1x1024x64xf32, #tpu.memory_space<vmem>>, %arg5: memref<1024x1xi32, #tpu.memory_space<vmem>>, %arg6: memref<1024x64xf32, #tpu.memory_space<vmem>>, %arg7: memref<1024x64xf32, #tpu.memory_space<vmem>>, %arg8: memref<64x192xf32, #tpu.memory_space<vmem>>, %arg9: memref<64x192xf32, #tpu.memory_space<vmem>>, %arg10: memref<64x192xf32, #tpu.memory_space<vmem>>, %arg11: memref<1x192xf32, #tpu.memory_space<vmem>>, %arg12: memref<1x192xf32, #tpu.memory_space<vmem>>, %arg13: memref<64x192xf32, #tpu.memory_space<vmem>>, %arg14: memref<64x192xf32, #tpu.memory_space<vmem>>, %arg15: memref<64x192xf32, #tpu.memory_space<vmem>>, %arg16: memref<1x192xf32, #tpu.memory_space<vmem>>, %arg17: memref<1x192xf32, #tpu.memory_space<vmem>>, %arg18: memref<64x10xf32, #tpu.memory_space<vmem>>, %arg19: memref<64x10xf32, #tpu.memory_space<vmem>>, %arg20: memref<64x10xf32, #tpu.memory_space<vmem>>, %arg21: memref<64x10xf32, #tpu.memory_space<vmem>>, %arg22: memref<1x10xf32, #tpu.memory_space<vmem>>, %arg23: memref<1024x10xf32, #tpu.memory_space<vmem>>, %arg24: memref<1024x64xf32, #tpu.memory_space<vmem>>, %arg25: memref<1024x64xf32, #tpu.memory_space<vmem>>) attributes {dimension_semantics = [#tpu.dimension_semantics<arbitrary>], iteration_bounds = array<i64: 200>, scalar_prefetch = 0 : i64, scratch_operands = 2 : i64, tpu.core_type = #tpu.core_type<tc>, window_params = [{transform_indices = @transform_0, window_bounds = array<i64: 1, 1024, 64>}, {transform_indices = @transform_1, window_bounds = array<i64: 1, 1024, 64>}, {transform_indices = @transform_2, window_bounds = array<i64: 1, 1024, 64>}, {transform_indices = @transform_3, window_bounds = array<i64: 1, 1024, 64>}, {pipeline_mode = #tpu.pipeline_mode<synchronous>, transform_indices = @transform_4, window_bounds = array<i64: 1024, 1>}, {pipeline_mode = #tpu.pipeline_mode<synchronous>, transform_indices = @transform_5, window_bounds = array<i64: 1024, 64>}, {pipeline_mode = #tpu.pipeline_mode<synchronous>, transform_indices = @transform_6, window_bounds = array<i64: 1024, 64>}, {pipeline_mode = #tpu.pipeline_mode<synchronous>, transform_indices = @transform_7, window_bounds = array<i64: 64, 192>}, {pipeline_mode = #tpu.pipeline_mode<synchronous>, transform_indices = @transform_8, window_bounds = array<i64: 64, 192>}, {pipeline_mode = #tpu.pipeline_mode<synchronous>, transform_indices = @transform_9, window_bounds = array<i64: 64, 192>}, {pipeline_mode = #tpu.pipeline_mode<synchronous>, transform_indices = @transform_10, window_bounds = array<i64: 1, 192>}, {pipeline_mode = #tpu.pipeline_mode<synchronous>, transform_indices = @transform_11, window_bounds = array<i64: 1, 192>}, {pipeline_mode = #tpu.pipeline_mode<synchronous>, transform_indices = @transform_12, window_bounds = array<i64: 64, 192>}, {pipeline_mode = #tpu.pipeline_mode<synchronous>, transform_indices = @transform_13, window_bounds = array<i64: 64, 192>}, {pipeline_mode = #tpu.pipeline_mode<synchronous>, transform_indices = @transform_14, window_bounds = array<i64: 64, 192>}, {pipeline_mode = #tpu.pipeline_mode<synchronous>, transform_indices = @transform_15, window_bounds = array<i64: 1, 192>}, {pipeline_mode = #tpu.pipeline_mode<synchronous>, transform_indices = @transform_16, window_bounds = array<i64: 1, 192>}, {pipeline_mode = #tpu.pipeline_mode<synchronous>, transform_indices = @transform_17, window_bounds = array<i64: 64, 10>}, {pipeline_mode = #tpu.pipeline_mode<synchronous>, transform_indices = @transform_18, window_bounds = array<i64: 64, 10>}, {pipeline_mode = #tpu.pipeline_mode<synchronous>, transform_indices = @transform_19, window_bounds = array<i64: 64, 10>}, {pipeline_mode = #tpu.pipeline_mode<synchronous>, transform_indices = @transform_20, window_bounds = array<i64: 64, 10>}, {pipeline_mode = #tpu.pipeline_mode<synchronous>, transform_indices = @transform_21, window_bounds = array<i64: 1, 10>}, {pipeline_mode = #tpu.pipeline_mode<synchronous>, transform_indices = @transform_22, window_bounds = array<i64: 1024, 10>}]} {
    %eq3A = arith.constant 0 : i32
    %eq3A_0 = arith.cmpi eq, %arg0, %eq3A : i32
    %convert_element_type3A = arith.extui %eq3A_0 : i1 to i32
    %cond3A = arith.constant 0 : i32
    %cond3A_1 = arith.cmpi ne, %convert_element_type3A, %cond3A : i32
    scf.if %cond3A_1 {
      %broadcast_in_dim3A_152 = arith.constant 0.000000e+00 : f32
      %broadcast_in_dim3A_153 = vector.broadcast %broadcast_in_dim3A_152 : f32 to vector<1024x64xf32>
      %swap3A_154 = arith.constant 0 : index
      %swap3A_155 = arith.constant 0 : index
      %swap3A_156 = vector.load %arg24[%swap3A_154, %swap3A_155] : memref<1024x64xf32, #tpu.memory_space<vmem>>, vector<1024x64xf32>
      tpu.vector_store %arg24[%swap3A_154, %swap3A_155], %broadcast_in_dim3A_153 {strides = array<i32>} : memref<1024x64xf32, #tpu.memory_space<vmem>>, vector<1024x64xf32>,
      %broadcast_in_dim3A_157 = arith.constant 0.000000e+00 : f32
      %broadcast_in_dim3A_158 = vector.broadcast %broadcast_in_dim3A_157 : f32 to vector<1024x64xf32>
      %swap3A_159 = arith.constant 0 : index
      %swap3A_160 = arith.constant 0 : index
      %swap3A_161 = vector.load %arg25[%swap3A_159, %swap3A_160] : memref<1024x64xf32, #tpu.memory_space<vmem>>, vector<1024x64xf32>
      tpu.vector_store %arg25[%swap3A_159, %swap3A_160], %broadcast_in_dim3A_158 {strides = array<i32>} : memref<1024x64xf32, #tpu.memory_space<vmem>>, vector<1024x64xf32>,
    } else {
    }
    %get3A = arith.constant 0 : index
    %get3A_2 = arith.constant 0 : index
    %get3A_3 = vector.load %arg5[%get3A, %get3A_2] : memref<1024x1xi32, #tpu.memory_space<vmem>>, vector<1024x1xi32>
    %get3A_4 = arith.constant 0 : index
    %get3A_5 = arith.constant 0 : index
    %get3A_6 = vector.load %arg24[%get3A_4, %get3A_5] : memref<1024x64xf32, #tpu.memory_space<vmem>>, vector<1024x64xf32>
    %get3A_7 = arith.constant 0 : index
    %get3A_8 = arith.constant 0 : index
    %get3A_9 = arith.constant 0 : index
    %get3A_10 = vector.load %arg1[%get3A_7, %get3A_8, %get3A_9] : memref<1x1024x64xf32, #tpu.memory_space<vmem>>, vector<1x1024x64xf32>
    %get3A_11 = vector.shape_cast %get3A_10 : vector<1x1024x64xf32> to vector<1024x64xf32>
    %get3A_12 = arith.constant 0 : index
    %get3A_13 = arith.constant 0 : index
    %get3A_14 = vector.load %arg8[%get3A_12, %get3A_13] : memref<64x192xf32, #tpu.memory_space<vmem>>, vector<64x192xf32>
    %dot_general3A = arith.constant dense<0.000000e+00> : vector<1024x192xf32>
    %dot_general3A_15 = tpu.matmul %get3A_11, %get3A_14, %dot_general3A {dimension_numbers = #tpu.dot_dimension_numbers<[1], [0], [0], [1], [0, 0, 1, 1], [], []>, transpose_lhs_hint = false} : vector<1024x64xf32>, vector<64x192xf32>, vector<1024x192xf32> -> vector<1024x192xf32>
    %get3A_16 = arith.constant 0 : index
    %get3A_17 = arith.constant 0 : index
    %get3A_18 = arith.constant 0 : index
    %get3A_19 = vector.load %arg2[%get3A_16, %get3A_17, %get3A_18] : memref<1x1024x64xf32, #tpu.memory_space<vmem>>, vector<1x1024x64xf32>
    %get3A_20 = vector.shape_cast %get3A_19 : vector<1x1024x64xf32> to vector<1024x64xf32>
    %get3A_21 = arith.constant 0 : index
    %get3A_22 = arith.constant 0 : index
    %get3A_23 = vector.load %arg9[%get3A_21, %get3A_22] : memref<64x192xf32, #tpu.memory_space<vmem>>, vector<64x192xf32>
    %dot_general3A_24 = arith.constant dense<0.000000e+00> : vector<1024x192xf32>
    %dot_general3A_25 = tpu.matmul %get3A_20, %get3A_23, %dot_general3A_24 {dimension_numbers = #tpu.dot_dimension_numbers<[1], [0], [0], [1], [0, 0, 1, 1], [], []>, transpose_lhs_hint = false} : vector<1024x64xf32>, vector<64x192xf32>, vector<1024x192xf32> -> vector<1024x192xf32>
    %add3A = arith.addf %dot_general3A_15, %dot_general3A_25 : vector<1024x192xf32>
    %get3A_26 = arith.constant 0 : index
    %get3A_27 = arith.constant 0 : index
    %get3A_28 = vector.load %arg11[%get3A_26, %get3A_27] : memref<1x192xf32, #tpu.memory_space<vmem>>, vector<1x192xf32>
    %add3A_29 = vector.broadcast %get3A_28 : vector<1x192xf32> to vector<1024x192xf32>
    %add3A_30 = arith.addf %add3A, %add3A_29 : vector<1024x192xf32>
    %get3A_31 = arith.constant 0 : index
    %get3A_32 = arith.constant 0 : index
    %get3A_33 = vector.load %arg10[%get3A_31, %get3A_32] : memref<64x192xf32, #tpu.memory_space<vmem>>, vector<64x192xf32>
    %get3A_34 = arith.constant 0 : index
    %get3A_35 = arith.constant 0 : index
    %get3A_36 = vector.load %arg12[%get3A_34, %get3A_35] : memref<1x192xf32, #tpu.memory_space<vmem>>, vector<1x192xf32>
    %dot_general3A_37 = arith.constant dense<0.000000e+00> : vector<1024x192xf32>
    %dot_general3A_38 = tpu.matmul %get3A_6, %get3A_33, %dot_general3A_37 {dimension_numbers = #tpu.dot_dimension_numbers<[1], [0], [0], [1], [0, 0, 1, 1], [], []>, transpose_lhs_hint = false} : vector<1024x64xf32>, vector<64x192xf32>, vector<1024x192xf32> -> vector<1024x192xf32>
    %add3A_39 = vector.broadcast %get3A_36 : vector<1x192xf32> to vector<1024x192xf32>
    %add3A_40 = arith.addf %dot_general3A_38, %add3A_39 : vector<1024x192xf32>
    %slice3A = vector.extract_strided_slice %add3A_30 {offsets = [0, 0], sizes = [1024, 64], strides = [1, 1]} : vector<1024x192xf32> to vector<1024x64xf32>
    %slice3A_41 = vector.extract_strided_slice %add3A_30 {offsets = [0, 64], sizes = [1024, 64], strides = [1, 1]} : vector<1024x192xf32> to vector<1024x64xf32>
    %slice3A_42 = vector.extract_strided_slice %add3A_30 {offsets = [0, 128], sizes = [1024, 64], strides = [1, 1]} : vector<1024x192xf32> to vector<1024x64xf32>
    %slice3A_43 = vector.extract_strided_slice %add3A_40 {offsets = [0, 0], sizes = [1024, 64], strides = [1, 1]} : vector<1024x192xf32> to vector<1024x64xf32>
    %slice3A_44 = vector.extract_strided_slice %add3A_40 {offsets = [0, 64], sizes = [1024, 64], strides = [1, 1]} : vector<1024x192xf32> to vector<1024x64xf32>
    %slice3A_45 = vector.extract_strided_slice %add3A_40 {offsets = [0, 128], sizes = [1024, 64], strides = [1, 1]} : vector<1024x192xf32> to vector<1024x64xf32>
    %add3A_46 = arith.addf %slice3A, %slice3A_43 : vector<1024x64xf32>
    %logistic3A = arith.negf %add3A_46 : vector<1024x64xf32>
    %logistic3A_47 = math.exp %logistic3A : vector<1024x64xf32>
    %logistic3A_48 = arith.constant 1.000000e+00 : f32
    %logistic3A_49 = vector.broadcast %logistic3A_48 : f32 to vector<1024x64xf32>
    %logistic3A_50 = arith.addf %logistic3A_49, %logistic3A_47 : vector<1024x64xf32>
    %logistic3A_51 = arith.divf %logistic3A_49, %logistic3A_50 : vector<1024x64xf32>
    %add3A_52 = arith.addf %slice3A_41, %slice3A_44 : vector<1024x64xf32>
    %logistic3A_53 = arith.negf %add3A_52 : vector<1024x64xf32>
    %logistic3A_54 = math.exp %logistic3A_53 : vector<1024x64xf32>
    %logistic3A_55 = arith.constant 1.000000e+00 : f32
    %logistic3A_56 = vector.broadcast %logistic3A_55 : f32 to vector<1024x64xf32>
    %logistic3A_57 = arith.addf %logistic3A_56, %logistic3A_54 : vector<1024x64xf32>
    %logistic3A_58 = arith.divf %logistic3A_56, %logistic3A_57 : vector<1024x64xf32>
    %mul3A = arith.mulf %logistic3A_51, %slice3A_45 : vector<1024x64xf32>
    %add3A_59 = arith.addf %slice3A_42, %mul3A : vector<1024x64xf32>
    %tanh3A = math.tanh %add3A_59 : vector<1024x64xf32>
    %sub3A = arith.constant 1.000000e+00 : f32
    %sub3A_60 = vector.broadcast %sub3A : f32 to vector<1024x64xf32>
    %sub3A_61 = arith.subf %sub3A_60, %logistic3A_58 : vector<1024x64xf32>
    %mul3A_62 = arith.mulf %sub3A_61, %tanh3A : vector<1024x64xf32>
    %mul3A_63 = arith.mulf %logistic3A_58, %get3A_6 : vector<1024x64xf32>
    %add3A_64 = arith.addf %mul3A_62, %mul3A_63 : vector<1024x64xf32>
    %lt3A = vector.broadcast %arg0 : i32 to vector<1024x1xi32>
    %lt3A_65 = arith.cmpi slt, %lt3A, %get3A_3 : vector<1024x1xi32>
    %broadcast_in_dim3A = vector.shape_cast %lt3A_65 : vector<1024x1xi1> to vector<1024x1xi1>
    %broadcast_in_dim3A_66 = vector.broadcast %broadcast_in_dim3A : vector<1024x1xi1> to vector<1024x64xi1>
    %select_n3A = arith.select %broadcast_in_dim3A_66, %add3A_64, %get3A_6 : vector<1024x64xi1>, vector<1024x64xf32>
    %swap3A = arith.constant 0 : index
    %swap3A_67 = arith.constant 0 : index
    %swap3A_68 = vector.load %arg24[%swap3A, %swap3A_67] : memref<1024x64xf32, #tpu.memory_space<vmem>>, vector<1024x64xf32>
    tpu.vector_store %arg24[%swap3A, %swap3A_67], %select_n3A {strides = array<i32>} : memref<1024x64xf32, #tpu.memory_space<vmem>>, vector<1024x64xf32>,
    %get3A_69 = arith.constant 0 : index
    %get3A_70 = arith.constant 0 : index
    %get3A_71 = vector.load %arg25[%get3A_69, %get3A_70] : memref<1024x64xf32, #tpu.memory_space<vmem>>, vector<1024x64xf32>
    %get3A_72 = arith.constant 0 : index
    %get3A_73 = arith.constant 0 : index
    %get3A_74 = arith.constant 0 : index
    %get3A_75 = vector.load %arg3[%get3A_72, %get3A_73, %get3A_74] : memref<1x1024x64xf32, #tpu.memory_space<vmem>>, vector<1x1024x64xf32>
    %get3A_76 = vector.shape_cast %get3A_75 : vector<1x1024x64xf32> to vector<1024x64xf32>
    %get3A_77 = arith.constant 0 : index
    %get3A_78 = arith.constant 0 : index
    %get3A_79 = vector.load %arg13[%get3A_77, %get3A_78] : memref<64x192xf32, #tpu.memory_space<vmem>>, vector<64x192xf32>
    %dot_general3A_80 = arith.constant dense<0.000000e+00> : vector<1024x192xf32>
    %dot_general3A_81 = tpu.matmul %get3A_76, %get3A_79, %dot_general3A_80 {dimension_numbers = #tpu.dot_dimension_numbers<[1], [0], [0], [1], [0, 0, 1, 1], [], []>, transpose_lhs_hint = false} : vector<1024x64xf32>, vector<64x192xf32>, vector<1024x192xf32> -> vector<1024x192xf32>
    %get3A_82 = arith.constant 0 : index
    %get3A_83 = arith.constant 0 : index
    %get3A_84 = arith.constant 0 : index
    %get3A_85 = vector.load %arg4[%get3A_82, %get3A_83, %get3A_84] : memref<1x1024x64xf32, #tpu.memory_space<vmem>>, vector<1x1024x64xf32>
    %get3A_86 = vector.shape_cast %get3A_85 : vector<1x1024x64xf32> to vector<1024x64xf32>
    %get3A_87 = arith.constant 0 : index
    %get3A_88 = arith.constant 0 : index
    %get3A_89 = vector.load %arg14[%get3A_87, %get3A_88] : memref<64x192xf32, #tpu.memory_space<vmem>>, vector<64x192xf32>
    %dot_general3A_90 = arith.constant dense<0.000000e+00> : vector<1024x192xf32>
    %dot_general3A_91 = tpu.matmul %get3A_86, %get3A_89, %dot_general3A_90 {dimension_numbers = #tpu.dot_dimension_numbers<[1], [0], [0], [1], [0, 0, 1, 1], [], []>, transpose_lhs_hint = false} : vector<1024x64xf32>, vector<64x192xf32>, vector<1024x192xf32> -> vector<1024x192xf32>
    %add3A_92 = arith.addf %dot_general3A_81, %dot_general3A_91 : vector<1024x192xf32>
    %get3A_93 = arith.constant 0 : index
    %get3A_94 = arith.constant 0 : index
    %get3A_95 = vector.load %arg16[%get3A_93, %get3A_94] : memref<1x192xf32, #tpu.memory_space<vmem>>, vector<1x192xf32>
    %add3A_96 = vector.broadcast %get3A_95 : vector<1x192xf32> to vector<1024x192xf32>
    %add3A_97 = arith.addf %add3A_92, %add3A_96 : vector<1024x192xf32>
    %get3A_98 = arith.constant 0 : index
    %get3A_99 = arith.constant 0 : index
    %get3A_100 = vector.load %arg15[%get3A_98, %get3A_99] : memref<64x192xf32, #tpu.memory_space<vmem>>, vector<64x192xf32>
    %get3A_101 = arith.constant 0 : index
    %get3A_102 = arith.constant 0 : index
    %get3A_103 = vector.load %arg17[%get3A_101, %get3A_102] : memref<1x192xf32, #tpu.memory_space<vmem>>, vector<1x192xf32>
    %dot_general3A_104 = arith.constant dense<0.000000e+00> : vector<1024x192xf32>
    %dot_general3A_105 = tpu.matmul %get3A_71, %get3A_100, %dot_general3A_104 {dimension_numbers = #tpu.dot_dimension_numbers<[1], [0], [0], [1], [0, 0, 1, 1], [], []>, transpose_lhs_hint = false} : vector<1024x64xf32>, vector<64x192xf32>, vector<1024x192xf32> -> vector<1024x192xf32>
    %add3A_106 = vector.broadcast %get3A_103 : vector<1x192xf32> to vector<1024x192xf32>
    %add3A_107 = arith.addf %dot_general3A_105, %add3A_106 : vector<1024x192xf32>
    %slice3A_108 = vector.extract_strided_slice %add3A_97 {offsets = [0, 0], sizes = [1024, 64], strides = [1, 1]} : vector<1024x192xf32> to vector<1024x64xf32>
    %slice3A_109 = vector.extract_strided_slice %add3A_97 {offsets = [0, 64], sizes = [1024, 64], strides = [1, 1]} : vector<1024x192xf32> to vector<1024x64xf32>
    %slice3A_110 = vector.extract_strided_slice %add3A_97 {offsets = [0, 128], sizes = [1024, 64], strides = [1, 1]} : vector<1024x192xf32> to vector<1024x64xf32>
    %slice3A_111 = vector.extract_strided_slice %add3A_107 {offsets = [0, 0], sizes = [1024, 64], strides = [1, 1]} : vector<1024x192xf32> to vector<1024x64xf32>
    %slice3A_112 = vector.extract_strided_slice %add3A_107 {offsets = [0, 64], sizes = [1024, 64], strides = [1, 1]} : vector<1024x192xf32> to vector<1024x64xf32>
    %slice3A_113 = vector.extract_strided_slice %add3A_107 {offsets = [0, 128], sizes = [1024, 64], strides = [1, 1]} : vector<1024x192xf32> to vector<1024x64xf32>
    %add3A_114 = arith.addf %slice3A_108, %slice3A_111 : vector<1024x64xf32>
    %logistic3A_115 = arith.negf %add3A_114 : vector<1024x64xf32>
    %logistic3A_116 = math.exp %logistic3A_115 : vector<1024x64xf32>
    %logistic3A_117 = arith.constant 1.000000e+00 : f32
    %logistic3A_118 = vector.broadcast %logistic3A_117 : f32 to vector<1024x64xf32>
    %logistic3A_119 = arith.addf %logistic3A_118, %logistic3A_116 : vector<1024x64xf32>
    %logistic3A_120 = arith.divf %logistic3A_118, %logistic3A_119 : vector<1024x64xf32>
    %add3A_121 = arith.addf %slice3A_109, %slice3A_112 : vector<1024x64xf32>
    %logistic3A_122 = arith.negf %add3A_121 : vector<1024x64xf32>
    %logistic3A_123 = math.exp %logistic3A_122 : vector<1024x64xf32>
    %logistic3A_124 = arith.constant 1.000000e+00 : f32
    %logistic3A_125 = vector.broadcast %logistic3A_124 : f32 to vector<1024x64xf32>
    %logistic3A_126 = arith.addf %logistic3A_125, %logistic3A_123 : vector<1024x64xf32>
    %logistic3A_127 = arith.divf %logistic3A_125, %logistic3A_126 : vector<1024x64xf32>
    %mul3A_128 = arith.mulf %logistic3A_120, %slice3A_113 : vector<1024x64xf32>
    %add3A_129 = arith.addf %slice3A_110, %mul3A_128 : vector<1024x64xf32>
    %tanh3A_130 = math.tanh %add3A_129 : vector<1024x64xf32>
    %sub3A_131 = arith.constant 1.000000e+00 : f32
    %sub3A_132 = vector.broadcast %sub3A_131 : f32 to vector<1024x64xf32>
    %sub3A_133 = arith.subf %sub3A_132, %logistic3A_127 : vector<1024x64xf32>
    %mul3A_134 = arith.mulf %sub3A_133, %tanh3A_130 : vector<1024x64xf32>
    %mul3A_135 = arith.mulf %logistic3A_127, %get3A_71 : vector<1024x64xf32>
    %add3A_136 = arith.addf %mul3A_134, %mul3A_135 : vector<1024x64xf32>
    %sub3A_137 = arith.constant 199 : i32
    %sub3A_138 = arith.subi %sub3A_137, %arg0 : i32
    %lt3A_139 = vector.broadcast %sub3A_138 : i32 to vector<1024x1xi32>
    %lt3A_140 = arith.cmpi slt, %lt3A_139, %get3A_3 : vector<1024x1xi32>
    %broadcast_in_dim3A_141 = vector.shape_cast %lt3A_140 : vector<1024x1xi1> to vector<1024x1xi1>
    %broadcast_in_dim3A_142 = vector.broadcast %broadcast_in_dim3A_141 : vector<1024x1xi1> to vector<1024x64xi1>
    %select_n3A_143 = arith.select %broadcast_in_dim3A_142, %add3A_136, %get3A_71 : vector<1024x64xi1>, vector<1024x64xf32>
    %swap3A_144 = arith.constant 0 : index
    %swap3A_145 = arith.constant 0 : index
    %swap3A_146 = vector.load %arg25[%swap3A_144, %swap3A_145] : memref<1024x64xf32, #tpu.memory_space<vmem>>, vector<1024x64xf32>
    tpu.vector_store %arg25[%swap3A_144, %swap3A_145], %select_n3A_143 {strides = array<i32>} : memref<1024x64xf32, #tpu.memory_space<vmem>>, vector<1024x64xf32>,
    %eq3A_147 = arith.constant 199 : i32
    %eq3A_148 = arith.cmpi eq, %arg0, %eq3A_147 : i32
    %convert_element_type3A_149 = arith.extui %eq3A_148 : i1 to i32
    %cond3A_150 = arith.constant 0 : i32
    %cond3A_151 = arith.cmpi ne, %convert_element_type3A_149, %cond3A_150 : i32
    scf.if %cond3A_151 {
      %get3A_152 = arith.constant 0 : index
      %get3A_153 = arith.constant 0 : index
      %get3A_154 = vector.load %arg6[%get3A_152, %get3A_153] : memref<1024x64xf32, #tpu.memory_space<vmem>>, vector<1024x64xf32>
      %get3A_155 = arith.constant 0 : index
      %get3A_156 = arith.constant 0 : index
      %get3A_157 = vector.load %arg18[%get3A_155, %get3A_156] : memref<64x10xf32, #tpu.memory_space<vmem>>, vector<64x10xf32>
      %dot_general3A_158 = arith.constant dense<0.000000e+00> : vector<1024x10xf32>
      %dot_general3A_159 = tpu.matmul %get3A_154, %get3A_157, %dot_general3A_158 {dimension_numbers = #tpu.dot_dimension_numbers<[1], [0], [0], [1], [0, 0, 1, 1], [], []>, transpose_lhs_hint = false} : vector<1024x64xf32>, vector<64x10xf32>, vector<1024x10xf32> -> vector<1024x10xf32>
      %get3A_160 = arith.constant 0 : index
      %get3A_161 = arith.constant 0 : index
      %get3A_162 = vector.load %arg7[%get3A_160, %get3A_161] : memref<1024x64xf32, #tpu.memory_space<vmem>>, vector<1024x64xf32>
      %get3A_163 = arith.constant 0 : index
      %get3A_164 = arith.constant 0 : index
      %get3A_165 = vector.load %arg19[%get3A_163, %get3A_164] : memref<64x10xf32, #tpu.memory_space<vmem>>, vector<64x10xf32>
      %dot_general3A_166 = arith.constant dense<0.000000e+00> : vector<1024x10xf32>
      %dot_general3A_167 = tpu.matmul %get3A_162, %get3A_165, %dot_general3A_166 {dimension_numbers = #tpu.dot_dimension_numbers<[1], [0], [0], [1], [0, 0, 1, 1], [], []>, transpose_lhs_hint = false} : vector<1024x64xf32>, vector<64x10xf32>, vector<1024x10xf32> -> vector<1024x10xf32>
      %add3A_168 = arith.addf %dot_general3A_159, %dot_general3A_167 : vector<1024x10xf32>
      %get3A_169 = arith.constant 0 : index
      %get3A_170 = arith.constant 0 : index
      %get3A_171 = vector.load %arg20[%get3A_169, %get3A_170] : memref<64x10xf32, #tpu.memory_space<vmem>>, vector<64x10xf32>
      %dot_general3A_172 = arith.constant dense<0.000000e+00> : vector<1024x10xf32>
      %dot_general3A_173 = tpu.matmul %select_n3A, %get3A_171, %dot_general3A_172 {dimension_numbers = #tpu.dot_dimension_numbers<[1], [0], [0], [1], [0, 0, 1, 1], [], []>, transpose_lhs_hint = false} : vector<1024x64xf32>, vector<64x10xf32>, vector<1024x10xf32> -> vector<1024x10xf32>
      %add3A_174 = arith.addf %add3A_168, %dot_general3A_173 : vector<1024x10xf32>
      %get3A_175 = arith.constant 0 : index
      %get3A_176 = arith.constant 0 : index
      %get3A_177 = vector.load %arg21[%get3A_175, %get3A_176] : memref<64x10xf32, #tpu.memory_space<vmem>>, vector<64x10xf32>
      %dot_general3A_178 = arith.constant dense<0.000000e+00> : vector<1024x10xf32>
      %dot_general3A_179 = tpu.matmul %select_n3A_143, %get3A_177, %dot_general3A_178 {dimension_numbers = #tpu.dot_dimension_numbers<[1], [0], [0], [1], [0, 0, 1, 1], [], []>, transpose_lhs_hint = false} : vector<1024x64xf32>, vector<64x10xf32>, vector<1024x10xf32> -> vector<1024x10xf32>
      %add3A_180 = arith.addf %add3A_174, %dot_general3A_179 : vector<1024x10xf32>
      %get3A_181 = arith.constant 0 : index
      %get3A_182 = arith.constant 0 : index
      %get3A_183 = vector.load %arg22[%get3A_181, %get3A_182] : memref<1x10xf32, #tpu.memory_space<vmem>>, vector<1x10xf32>
      %add3A_184 = vector.broadcast %get3A_183 : vector<1x10xf32> to vector<1024x10xf32>
      %add3A_185 = arith.addf %add3A_180, %add3A_184 : vector<1024x10xf32>
      %swap3A_186 = arith.constant 0 : index
      %swap3A_187 = arith.constant 0 : index
      %swap3A_188 = vector.load %arg23[%swap3A_186, %swap3A_187] : memref<1024x10xf32, #tpu.memory_space<vmem>>, vector<1024x10xf32>
      tpu.vector_store %arg23[%swap3A_186, %swap3A_187], %add3A_185 {strides = array<i32>} : memref<1024x10xf32, #tpu.memory_space<vmem>>, vector<1024x10xf32>,
    } else {
    }
    return
  }
  func.func @transform_0(%arg0: i32) -> (i32, i32, i32) {
    %c0_i32 = arith.constant 0 : i32
    %c0_i32_0 = arith.constant 0 : i32
    %c0_i32_1 = arith.constant 0 : i32
    return %arg0, %c0_i32, %c0_i32_0 : i32, i32, i32
  }
  func.func @transform_1(%arg0: i32) -> (i32, i32, i32) {
    %c0_i32 = arith.constant 0 : i32
    %c0_i32_0 = arith.constant 0 : i32
    %c0_i32_1 = arith.constant 0 : i32
    return %arg0, %c0_i32, %c0_i32_0 : i32, i32, i32
  }
  func.func @transform_2(%arg0: i32) -> (i32, i32, i32) {
    %sub3A = arith.constant 199 : i32
    %sub3A_0 = arith.subi %sub3A, %arg0 : i32
    %c0_i32 = arith.constant 0 : i32
    %c0_i32_1 = arith.constant 0 : i32
    %c0_i32_2 = arith.constant 0 : i32
    return %sub3A_0, %c0_i32, %c0_i32_1 : i32, i32, i32
  }
  func.func @transform_3(%arg0: i32) -> (i32, i32, i32) {
    %sub3A = arith.constant 199 : i32
    %sub3A_0 = arith.subi %sub3A, %arg0 : i32
    %c0_i32 = arith.constant 0 : i32
    %c0_i32_1 = arith.constant 0 : i32
    %c0_i32_2 = arith.constant 0 : i32
    return %sub3A_0, %c0_i32, %c0_i32_1 : i32, i32, i32
  }
  func.func @transform_4(%arg0: i32) -> (i32, i32) {
    %c0_i32 = arith.constant 0 : i32
    %c0_i32_0 = arith.constant 0 : i32
    %c0_i32_1 = arith.constant 0 : i32
    return %c0_i32, %c0_i32_0 : i32, i32
  }
  func.func @transform_5(%arg0: i32) -> (i32, i32) {
    %c0_i32 = arith.constant 0 : i32
    %c0_i32_0 = arith.constant 0 : i32
    %c0_i32_1 = arith.constant 0 : i32
    return %c0_i32, %c0_i32_0 : i32, i32
  }
  func.func @transform_6(%arg0: i32) -> (i32, i32) {
    %c0_i32 = arith.constant 0 : i32
    %c0_i32_0 = arith.constant 0 : i32
    %c0_i32_1 = arith.constant 0 : i32
    return %c0_i32, %c0_i32_0 : i32, i32
  }
  func.func @transform_7(%arg0: i32) -> (i32, i32) {
    %c0_i32 = arith.constant 0 : i32
    %c0_i32_0 = arith.constant 0 : i32
    %c0_i32_1 = arith.constant 0 : i32
    return %c0_i32, %c0_i32_0 : i32, i32
  }
  func.func @transform_8(%arg0: i32) -> (i32, i32) {
    %c0_i32 = arith.constant 0 : i32
    %c0_i32_0 = arith.constant 0 : i32
    %c0_i32_1 = arith.constant 0 : i32
    return %c0_i32, %c0_i32_0 : i32, i32
  }
  func.func @transform_9(%arg0: i32) -> (i32, i32) {
    %c0_i32 = arith.constant 0 : i32
    %c0_i32_0 = arith.constant 0 : i32
    %c0_i32_1 = arith.constant 0 : i32
    return %c0_i32, %c0_i32_0 : i32, i32
  }
  func.func @transform_10(%arg0: i32) -> (i32, i32) {
    %c0_i32 = arith.constant 0 : i32
    %c0_i32_0 = arith.constant 0 : i32
    %c0_i32_1 = arith.constant 0 : i32
    return %c0_i32, %c0_i32_0 : i32, i32
  }
  func.func @transform_11(%arg0: i32) -> (i32, i32) {
    %c0_i32 = arith.constant 0 : i32
    %c0_i32_0 = arith.constant 0 : i32
    %c0_i32_1 = arith.constant 0 : i32
    return %c0_i32, %c0_i32_0 : i32, i32
  }
  func.func @transform_12(%arg0: i32) -> (i32, i32) {
    %c0_i32 = arith.constant 0 : i32
    %c0_i32_0 = arith.constant 0 : i32
    %c0_i32_1 = arith.constant 0 : i32
    return %c0_i32, %c0_i32_0 : i32, i32
  }
  func.func @transform_13(%arg0: i32) -> (i32, i32) {
    %c0_i32 = arith.constant 0 : i32
    %c0_i32_0 = arith.constant 0 : i32
    %c0_i32_1 = arith.constant 0 : i32
    return %c0_i32, %c0_i32_0 : i32, i32
  }
  func.func @transform_14(%arg0: i32) -> (i32, i32) {
    %c0_i32 = arith.constant 0 : i32
    %c0_i32_0 = arith.constant 0 : i32
    %c0_i32_1 = arith.constant 0 : i32
    return %c0_i32, %c0_i32_0 : i32, i32
  }
  func.func @transform_15(%arg0: i32) -> (i32, i32) {
    %c0_i32 = arith.constant 0 : i32
    %c0_i32_0 = arith.constant 0 : i32
    %c0_i32_1 = arith.constant 0 : i32
    return %c0_i32, %c0_i32_0 : i32, i32
  }
  func.func @transform_16(%arg0: i32) -> (i32, i32) {
    %c0_i32 = arith.constant 0 : i32
    %c0_i32_0 = arith.constant 0 : i32
    %c0_i32_1 = arith.constant 0 : i32
    return %c0_i32, %c0_i32_0 : i32, i32
  }
  func.func @transform_17(%arg0: i32) -> (i32, i32) {
    %c0_i32 = arith.constant 0 : i32
    %c0_i32_0 = arith.constant 0 : i32
    %c0_i32_1 = arith.constant 0 : i32
    return %c0_i32, %c0_i32_0 : i32, i32
  }
  func.func @transform_18(%arg0: i32) -> (i32, i32) {
    %c0_i32 = arith.constant 0 : i32
    %c0_i32_0 = arith.constant 0 : i32
    %c0_i32_1 = arith.constant 0 : i32
    return %c0_i32, %c0_i32_0 : i32, i32
  }
  func.func @transform_19(%arg0: i32) -> (i32, i32) {
    %c0_i32 = arith.constant 0 : i32
    %c0_i32_0 = arith.constant 0 : i32
    %c0_i32_1 = arith.constant 0 : i32
    return %c0_i32, %c0_i32_0 : i32, i32
  }
  func.func @transform_20(%arg0: i32) -> (i32, i32) {
    %c0_i32 = arith.constant 0 : i32
    %c0_i32_0 = arith.constant 0 : i32
    %c0_i32_1 = arith.constant 0 : i32
    return %c0_i32, %c0_i32_0 : i32, i32
  }
  func.func @transform_21(%arg0: i32) -> (i32, i32) {
    %c0_i32 = arith.constant 0 : i32
    %c0_i32_0 = arith.constant 0 : i32
    %c0_i32_1 = arith.constant 0 : i32
    return %c0_i32, %c0_i32_0 : i32, i32
  }
  func.func @transform_22(%arg0: i32) -> (i32, i32) {
    %c0_i32 = arith.constant 0 : i32
    %c0_i32_0 = arith.constant 0 : i32
    %c0_i32_1 = arith.constant 0 : i32
    return %c0_i32, %c0_i32_0 : i32, i32
  }
}

</mosaic_0001>

<sc_bundles>
// kernel: kernel.5.cloned.1.call-start
scs
__scs_entry_jumppad:
0x0: {  	(pc) =	sbr.rel $0x88, $3  }
0x1: {  	(tag) =	ssettag $0x0;
	lr =	simm.s32 $0x1  }
0x2: {  	[smem:$0x3F99] =	sst lr;
	_ =	strace $0xD0000000  }
0x3: {  	_ = 	snop  }
0x4: {  	_ = 	snop  }
0x5: {  	_ = 	snop  }
0x6: {  	_ = 	snop  }
0x7: {  	_ = 	snop  }
__scs_overlays_trampoline_lowered:
0x8: {  	[smem:$0x3FA8] =	sst s0  }
0x9: {  	[smem:$0x3FA9] =	sst s1  }
0xa: {  	[smem:$0x3FAA] =	sst s2  }
0xb: {  	[smem:$0x3FAB] =	sst s3  }
0xc: {  	[smem:$0x3FAC] =	sst s4  }
0xd: {  	[smem:$0x3FAD] =	sst s5  }
0xe: {  	[smem:$0x3FAE] =	sst s6  }
0xf: {  	[smem:$0x3FAF] =	sst s7  }
0x10: {  	[smem:$0x3FB0] =	sst s8  }
0x11: {  	[smem:$0x3FB1] =	sst s9;
	s0 =	simm.s32 @!p0 $0x0  }
0x12: {  	s1 =	sld [smem:$0x3F97];
	s0 =	simm.s32 @p0 $0x1  }
0x13: {  	[smem:$0x3FB2] =	sst s0;
	s0 =	simm.s32 @!p1 $0x0  }
0x14: {  	s2 =	sld [smem:$0x3F96];
	s0 =	simm.s32 @p1 $0x1  }
0x15: {  	[smem:$0x3FB3] =	sst s0;
	s0 =	simm.s32 @!p2 $0x0  }
0x16: {  	s3 =	sld [smem:$0x3FDB];
	s0 =	simm.s32 @p2 $0x1  }
0x17: {  	s4 =	simm.s32 $0x1BF5;
	[smem:$0x3FB5] =	sst s0  }
0x18: {  	s0 =	sld [smem:$0x3F98];
	_ =	swait.ge [sflag:s4], $0x0  }
0x19: {  	s7 =	sld [smem:$0x3F99]  }
0x1a: {  	s8 =	sadd.s32 $0xFFFFE003, lr  }
0x1b: {  	s9 =	sadd.s32 $0xFFFFFEF7, lr;
	s5 =	simm.s32 $0xFFFFFFFF;
	p2 =	slt.u32 s8, $0xFFFFF086  }
0x1c: {  	p1 =	slt.u32 s9, $0xF7A;
	s5 =	simm.s32 @!p2 $0x0  }
0x1d: {  	s5 =	simm.s32 @p1 $0x1;
	p0 =	seq.s32 s7, s2  }
0x1e: {  	s7 =	smul.u32 @!p0 $0xF7A, s2;
	p2 =	seq.s32 @!p0 s5, $0x0  }
0x1f: {  	s9 =	smul.u32 $0xF7A, s1;
	s8 =	simm.s32 @!p0 $0x1BF5;
	p2 =	por !p2, p0  }
0x20: {  	[sflag:s8] =	ssyncset.s32 @!p0 $0xFFFFF086;
	s6 =	sadd.s32 @!p0 s3, s7;
	s7 =	simm.s32 @!p0 $0x108  }
0x21: {  	s3 =	sadd.s32 s3, s9;
	s6 =	sadd.s32 @!p0 $0x88, s6;
	s7 =	simm.s32 @p2 $0x1082  }
0x22: {  	[simem:s7], [sflag:s8] =	dma.local @!p0 [hbm:s6], $0xF7A  }
0x23: {  	s9 =	sor.u32 $0xD0000000, s2;
	s6 =	simm.s32 $0x108;
	_ =	swait.ge @!p0 [sflag:s8], $0x0  }
0x24: {  	s3 =	sadd.s32 $0x88, s3;
	s6 =	simm.s32 @!p1 $0x1082;
	[sflag:s4] =	ssyncset.s32 $0xFFFFF086  }
0x25: {  	[simem:s6], [sflag:s4] =	dma.local [hbm:s3], $0xF7A  }
0x26: {  	[smem:$0x3F99] =	sst s1;
	(tag) =	ssettag s2;
	_ =	strace s9  }
0x27: {  	s1 =	sld [smem:$0x3FA9]  }
0x28: {  	s2 =	sld [smem:$0x3FAA]  }
0x29: {  	s4 =	sld [smem:$0x3FAC]  }
0x2a: {  	p0 =	seq.s32 s5, $0x0;
	s5 =	sld [smem:$0x3FAD]  }
0x2b: {  	s6 =	sld [smem:$0x3FAE]  }
0x2c: {  	s7 =	sld [smem:$0x3FAF]  }
0x2d: {  	s3 =	simm.s32 $0x108;
	s8 =	sld [smem:$0x3FB0]  }
0x2e: {  	s3 =	simm.s32 @!p0 $0x1082;
	s9 =	sld [smem:$0x3FB1]  }
0x2f: {  	lr =	sadd.s32 s0, s3;
	s0 =	sld [smem:$0x3FA8]  }
0x30: {  	s3 =	sld [smem:$0x3FAB]  }
0x31: {  	[smem:$0x3FB4] =	sst s10  }
0x32: {  	s10 =	sld [smem:$0x3FB2];
	_ =	sdelay $0x3  }
0x33: {  	p0 =	seq.s32 s10, $0x1;
	s10 =	sld [smem:$0x3FB4];
	_ =	sdelay $0x3  }
0x34: {  	[smem:$0x3FB4] =	sst s10  }
0x35: {  	s10 =	sld [smem:$0x3FB3];
	_ =	sdelay $0x3  }
0x36: {  	p1 =	seq.s32 s10, $0x1;
	s10 =	sld [smem:$0x3FB4];
	_ =	sdelay $0x3  }
0x37: {  	[smem:$0x3FB4] =	sst s10  }
0x38: {  	s10 =	sld [smem:$0x3FB5]  }
0x39: {  	_ = 	snop;
	(pc) =	sbr.ind lr, $3  }
0x3a: {  	_ = 	snop  }
0x3b: {  	_ = 	snop  }
0x3c: {  	p2 =	seq.s32 s10, $0x1;
	s10 =	sld [smem:$0x3FB4]  }
0x3d: {  	_ =	shalt  }
0x3e: {  	_ =	shalt  }
0x3f: {  	_ =	shalt  }
0x40: {  	_ =	shalt  }
0x41: {  	_ =	shalt  }
0x42: {  	_ =	shalt  }
0x43: {  	_ =	shalt  }
0x44: {  	_ =	shalt  }
0x45: {  	_ =	shalt  }
0x46: {  	_ =	shalt  }
0x47: {  	_ =	shalt  }
0x48: {  	_ =	shalt  }
0x49: {  	_ =	shalt  }
0x4a: {  	_ =	shalt  }
0x4b: {  	_ =	shalt  }
0x4c: {  	_ =	shalt  }
0x4d: {  	_ =	shalt  }
0x4e: {  	_ =	shalt  }
0x4f: {  	_ =	shalt  }
0x50: {  	_ =	shalt  }
0x51: {  	_ =	shalt  }
0x52: {  	_ =	shalt  }
0x53: {  	_ =	shalt  }
0x54: {  	_ =	shalt  }
0x55: {  	_ =	shalt  }
0x56: {  	_ =	shalt  }
0x57: {  	_ =	shalt  }
0x58: {  	_ =	shalt  }
0x59: {  	_ =	shalt  }
0x5a: {  	_ =	shalt  }
0x5b: {  	_ =	shalt  }
0x5c: {  	_ =	shalt  }
0x5d: {  	_ =	shalt  }
0x5e: {  	_ =	shalt  }
0x5f: {  	_ =	shalt  }
0x60: {  	_ =	shalt  }
0x61: {  	_ =	shalt  }
0x62: {  	_ =	shalt  }
0x63: {  	_ =	shalt  }
0x64: {  	_ =	shalt  }
0x65: {  	_ =	shalt  }
0x66: {  	_ =	shalt  }
0x67: {  	_ =	shalt  }
0x68: {  	_ =	shalt  }
0x69: {  	_ =	shalt  }
0x6a: {  	_ =	shalt  }
0x6b: {  	_ =	shalt  }
0x6c: {  	_ =	shalt  }
0x6d: {  	_ =	shalt  }
0x6e: {  	_ =	shalt  }
0x6f: {  	_ =	shalt  }
0x70: {  	_ =	shalt  }
0x71: {  	_ =	shalt  }
0x72: {  	_ =	shalt  }
0x73: {  	_ =	shalt  }
0x74: {  	_ =	shalt  }
0x75: {  	_ =	shalt  }
0x76: {  	_ =	shalt  }
0x77: {  	_ =	shalt  }
0x78: {  	_ =	shalt  }
0x79: {  	_ =	shalt  }
0x7a: {  	_ =	shalt  }
0x7b: {  	_ =	shalt  }
0x7c: {  	_ =	shalt  }
0x7d: {  	_ =	shalt  }
0x7e: {  	_ =	shalt  }
0x7f: {  	_ =	shalt  }
0x80: {  	_ =	shalt  }
0x81: {  	_ =	shalt  }
0x82: {  	_ =	shalt  }
0x83: {  	_ =	shalt  }
0x84: {  	_ =	shalt  }
0x85: {  	_ =	shalt  }
0x86: {  	_ =	shalt  }
0x87: {  	_ =	shalt  }
.Lfunc_end0:
.L_simem_size_0:
called_computation_lowered:
.L_overlay_start_0:
0x88: {  	s2 =	sld [smem:$0x3FD9]  }
0x89: {  	s3 =	sld [smem:$0x3FFE];
	_ =	sdelay $0x1  }
0x8a: {  	s1 =	srdreg.scid  }
0x8b: {  	s0 =	sand.u32 $0x1, s1  }
0x8c: {  	s17 =	sshll.u32 s0, $0xA;
	s2 =	sadd.s32 s3, s2  }
0x8d: {  	s2 =	sadd.s32 s2, s17  }
0x8e: {  	[smem:$0x3FC0] =	sst s2  }
0x8f: {  	_ = 	snop  }
0x90: {  	s2 =	sld [smem:$0x3FC8];
	(tm) =	ssettm $0x1  }
0x91: {  	s18 =	sld [smem:$0x3FFB];
	_ =	sdelay $0x3  }
0x92: {  	_ =	strace s18  }
0x93: {  	s3 =	sld [smem:$0x3FFC];
	_ =	sdelay $0x3  }
0x94: {  	_ =	strace s3  }
0x95: {  	s3 =	sld [smem:$0x3FFD];
	_ =	sdelay $0x3  }
0x96: {  	_ =	strace s3  }
0x97: {  	_ =	strace $0x8FFFFFFF  }
0x98: {  	s19 =	sld [smem:$0x3FDB];
	_ =	sdelay $0x1  }
0x99: {  	s4 =	simm.s32 $_scs_section_size  }
0x9a: {  	s5 =	simm.s32 $_size__tile_overlayer_lowered;
	s6 =	simm.s32 $_tile_overlayer_lowered  }
0x9b: {  	s22 =	simm.s32 $0x1BFF;
	s21 =	sshll.u32 s6, $0x1;
	s3 =	sadd.s32 s4, s19  }
0x9c: {  	s7 =	simm.s32 $0x0;
	s20 =	sshll.u32 s5, $0x1;
	s5 =	sadd.s32 s21, s3  }
0x9d: {  	[timem:s7], [sflag:s22] =	dma.local [hbm:s5], s20  }
0x9e: {  	_ =	swait.ge [sflag:s22], s20  }
0x9f: {  	s4 =	ssub.s32 $0x0, s20;
	[sflag:s22] =	ssyncset.done $0x0  }
0xa0: {  	[sflag:s22] =	ssyncadd.s32 s4;
	_ =	sdelay $0x1  }
0xa1: {  	s23 =	simm.s32 $0x1B8B  }
0xa2: {  	_ =	swait.ge [sflag:s23], $0x1  }
0xa3: {  	[sflag:s23] =	ssyncset.done $0x0  }
0xa4: {  	s25 =	simm.s32 $0x1B8E;
	s24 =	sld [smem:$0x3FFE];
	[sflag:s23] =	ssyncadd.s32 $0xFFFFFFFF  }
0xa5: {  	s26 =	simm.s32 $execute0_lowered;
	[smem:$0x3FD2] =	sst s25  }
0xa6: {  	s5 =	sshll.u32 s26, $0x1;
	_ =	strace $0x80000046;
	[dreg:$0x1] =	wrdreg $0xFFFFFFFF  }
0xa7: {  	s28 =	simm.s32 $_size_execute0_lowered;
	s3 =	sadd.s32 s3, s5;
	[dreg:$0x0] =	wrdreg $0x0  }
0xa8: {  	s5 =	sshll.u32 s28, $0x1;
	[dreg:$0x2] =	wrdreg s3  }
0xa9: {  	[dreg:$0x3] =	wrdreg s5  }
0xaa: {  	[dreg:$0x4] =	wrdreg $0xC0  }
0xab: {  	_ =	task [dreg:s7], $0x5FFFF  }
0xac: {  	[dreg:$0x1] =	wrdreg $0xFFFFFFFF  }
0xad: {  	[dreg:$0x0] =	wrdreg $0x60  }
0xae: {  	[dreg:$0x2] =	wrdreg s2  }
0xaf: {  	[dreg:$0x3] =	wrdreg s24  }
0xb0: {  	[dreg:$0x4] =	wrdreg $0x9  }
0xb1: {  	_ =	task.clear_ibuf [dreg:s7], $0x5FFFF;
	_ =	strace $0x90000046  }
0xb2: {  	s29 =	simm.s32 $0x9;
	_ =	strace $0x80000048  }
0xb3: {  	_ =	swait.ge [sflag:s29], $0x1  }
0xb4: {  	[sflag:s29] =	ssyncadd.s32 $0xFFFFFFFF  }
0xb5: {  	_ =	strace $0x90000048  }
0xb6: {  	_ =	sfence  }
0xb7: {  	s30 =	sld [smem:$0x0];
	_ =	sdelay $0x2  }
0xb8: {  	s31 =	sshll.u32 s1, $0xD;
	s1 =	sshrl.u32 s1, $0x2  }
0xb9: {  	s3 =	sand.u32 $0x4000, s31;
	s1 =	sadd.s32 s1, s30  }
0xba: {  	s0 =	sor.u32 s3, s0;
	s1 =	sshll.u32 s1, $0x11  }
0xbb: {  	s0 =	sor.u32 s1, s0  }
0xbc: {  	s0 =	sadd.s32 $0x8F2B, s0  }
0xbd: {  	[sflag:s0] =	ssyncadd.remote.s32 $0x1  }
0xbe: {  	_ =	sfence.sel $0xFFFF  }
0xbf: {  	[dreg:$0x0] =	wrdreg $0xFFFFFFFF;
	(pc) =	sbr.abs _section_cstart, $3  }
0xc0: {  	[dreg:$0x1] =	wrdreg $0xFFFFFFFF  }
0xc1: {  	_ =	task.clear_ibuf [dreg:s7], $0x2FFFF;
	_ =	strace $0x9FFFFFFF  }
0xc2: {  	(tm) =	ssettm $0x7FFFFFFF  }
0xc3: {  	_ =	shalt  }
tec
execute0_lowered:
.L_overlay_start_1:
0x0: {  	(tag) =	ssettag $0x1  }
0x1: {  	s2 =	rddreg [dreg:$0x0];
	s1 =	srdreg.scid  }
0x2: {  	s0 =	stileid.u32;
	s4 =	rddreg [dreg:$0x1]  }
0x3: {  	s3 =	simm.s32 $0x0;
	s13 =	simm.s32 $0x5C00;
	s14 =	simm.s32 $0x1  }
0x4: {  	s15 =	simm.s32 $0x3;
	s16 =	simm.s32 $0x2;
	s17 =	simm.s32 $0x4  }
0x5: {  	s18 =	simm.s32 $0x0;
	s5 =	sand.u32 $0x1, s1;
	s9 =	smul.u32 $0x32000, s0  }
0x6: {  	s6 =	sshll.u32 s0, $0x1;
	s1 =	rddreg [dreg:$0x2];
	s11 =	smul.u32 $0x190000, s0  }
0x7: {  	[smem:$0x7FF] =	sst s3;
	s10 =	sadd.s32 $0x8E00, s4;
	s12 =	smul.u32 $0xC8000, s5  }
0x8: {  	s6 =	sor.u32 s5, s6;
	s8 =	ssub.s32 $0x2, s5;
	s31 =	smul.u32 $0x19000, s5  }
0x9: {  	_ =	strace $0x80000047;
	s7 =	smul.u32 $0x380, s6;
	s30 =	sshrl.u32 s8, $0x1  }
0xa: {  	s6 =	smul.u32 $0xC8000, s6;
	s9 =	sadd.s32 s9, s10;
	s8 =	ssub.s32 s8, s30  }
0xb: {  	s11 =	sadd.s32 s12, s11;
	s9 =	sadd.s32 s31, s9;
	s12 =	simm.s32 $0x1C00  }
0xc: {  	s7 =	sadd.s32 s7, s4;
	s6 =	sshrl.u32 s6, $0x3;
	s11 =	sshrl.u32 s11, $0x3  }
0xd: {  	s4 =	sadd.s32 $0x1E00, s7;
	s6 =	sadd.s32 s10, s6;
	s7 =	smax.u32 s8, $0x1  }
0xe: {  	s8 =	sadd.s32 $0x800, s9;
	s9 =	sadd.s32 s11, s10;
	s10 =	simm.s32 $0x5  }
0xf: {  	s11 =	simm.s32 $0x80;
	s5 =	sadd.s32 $0x18000, s6;
	s6 =	sadd.s32 $0x18800, s6  }
.LBB2_1:
0x10: {  	[tilespmem:s3], [sflag:$0x5] =	stream.linear.gather [hbm4b:s4+s3], $0x1900, $0x38;
	[tilespmem:$0x9C00] =	vst v63  }
0x11: {  	_ =	swait.ge [sflag:s10], $0x1900  }
0x12: {  	[sflag:s10] =	ssyncset.done $0x0  }
0x13: {  	[sflag:s10] =	ssyncadd.s32 $0xFFFFE700  }
0x14: {  	[tilespmem:s12], [sflag:$0x1] =	stream.indirect.gather [hbm4b:s2+s11], $0x80, s3, s11, $0xb8;
	[tilespmem:$0x9C00] =	vst v63  }
0x15: {  	_ = 	snop  }
0x16: {  	[tilespmem:s13], [sflag:$0x2] =	stream.indirect.gather [hbm4b:s2+s11], $0x80, s11, s11, $0xb8;
	[tilespmem:$0x9C00] =	vst v63  }
0x17: {  	_ =	swait.ge [sflag:s14], $0x4000  }
0x18: {  	[sflag:s14] =	ssyncset.done $0x0  }
0x19: {  	s19 =	sadd.s32 $0x0, s9;
	[sflag:s14] =	ssyncadd.s32 $0xFFFFC000  }
0x1a: {  	[hbm4b:s19+s3] =	stream.linear.scatter [tilespmem:s12], [sflag:$0x3], $0x4000, $0x38;
	[tilespmem:$0x9C00] =	vst v63  }
0x1b: {  	_ =	swait.ge [sflag:s15], $0x4000  }
0x1c: {  	[sflag:s15] =	ssyncset.done $0x0  }
0x1d: {  	s30 =	simm.s32 $0x100;
	[sflag:s15] =	ssyncadd.s32 $0xFFFFC000  }
0x1e: {  	[tilespmem:s12], [sflag:$0x1] =	stream.indirect.gather [hbm4b:s2+s11], $0x80, s30, s11, $0xb8;
	[tilespmem:$0x9C00] =	vst v63  }
0x1f: {  	_ =	swait.ge [sflag:s16], $0x4000  }
0x20: {  	[sflag:s16] =	ssyncset.done $0x0  }
0x21: {  	s31 =	sadd.s32 $0x0, s8;
	[sflag:s16] =	ssyncadd.s32 $0xFFFFC000  }
0x22: {  	[hbm4b:s31+s3] =	stream.linear.scatter [tilespmem:s13], [sflag:$0x4], $0x4000, $0x38;
	[tilespmem:$0x9C00] =	vst v63  }
0x23: {  	_ =	swait.ge [sflag:s17], $0x4000  }
0x24: {  	s20 =	simm.s32 $0x1000;
	[sflag:s17] =	ssyncset.done $0x0  }
0x25: {  	s21 =	simm.s32 $0x280;
	s19 =	simm.s32 $0x180;
	[sflag:s17] =	ssyncadd.s32 $0xFFFFC000  }
.LBB2_2:
0x26: {  	[tilespmem:s13], [sflag:$0x2] =	stream.indirect.gather [hbm4b:s2+s11], $0x80, s19, s11, $0xb8;
	[tilespmem:$0x9C00] =	vst v63  }
0x27: {  	s22 =	smov.u32 s20;
	s19 =	smov.u32 s21  }
0x28: {  	p0 =	sne.s32 s20, $0x17000;
	s20 =	sadd.s32 $0x1000, s20;
	_ =	swait.ge [sflag:s14], $0x4000  }
0x29: {  	[sflag:s14] =	ssyncset.done $0x0  }
0x2a: {  	s23 =	sadd.s32 s22, s9;
	[sflag:s14] =	ssyncadd.s32 $0xFFFFC000  }
0x2b: {  	[hbm4b:s23+s3] =	stream.linear.scatter [tilespmem:s12], [sflag:$0x3], $0x4000, $0x38;
	[tilespmem:$0x9C00] =	vst v63  }
0x2c: {  	_ =	swait.ge [sflag:s15], $0x4000  }
0x2d: {  	[sflag:s15] =	ssyncset.done $0x0  }
0x2e: {  	s23 =	sadd.s32 $0xFFFFFF80, s21;
	[sflag:s15] =	ssyncadd.s32 $0xFFFFC000  }
0x2f: {  	[tilespmem:s12], [sflag:$0x1] =	stream.indirect.gather [hbm4b:s2+s11], $0x80, s23, s11, $0xb8;
	[tilespmem:$0x9C00] =	vst v63  }
0x30: {  	_ =	swait.ge [sflag:s16], $0x4000  }
0x31: {  	[sflag:s16] =	ssyncset.done $0x0  }
.Ltmp0:
0x32: {  	s22 =	sadd.s32 s22, s8;
	[sflag:s16] =	ssyncadd.s32 $0xFFFFC000;
	(pc) =	sbr.rel @p0 .LBB2_2-.Ltmp0, $4  }
0x33: {  	[hbm4b:s22+s3] =	stream.linear.scatter [tilespmem:s13], [sflag:$0x4], $0x4000, $0x38;
	[tilespmem:$0x9C00] =	vst v63  }
0x34: {  	_ =	swait.ge [sflag:s17], $0x4000  }
0x35: {  	[sflag:s17] =	ssyncset.done $0x0  }
0x36: {  	s21 =	sadd.s32 $0x100, s21;
	[sflag:s17] =	ssyncadd.s32 $0xFFFFC000  }
0x37: {  	[tilespmem:s13], [sflag:$0x2] =	stream.indirect.gather [hbm4b:s2+s11], $0x80, s19, s11, $0xb8;
	[tilespmem:$0x9C00] =	vst v63  }
0x38: {  	_ =	swait.ge [sflag:s14], $0x4000  }
0x39: {  	[sflag:s14] =	ssyncset.done $0x0  }
0x3a: {  	[sflag:s14] =	ssyncadd.s32 $0xFFFFC000  }
0x3b: {  	[hbm4b:s5+s3] =	stream.linear.scatter [tilespmem:s12], [sflag:$0x3], $0x4000, $0x38;
	[tilespmem:$0x9C00] =	vst v63  }
0x3c: {  	_ =	swait.ge [sflag:s15], $0x4000  }
0x3d: {  	[sflag:s15] =	ssyncset.done $0x0  }
0x3e: {  	[sflag:s15] =	ssyncadd.s32 $0xFFFFC000  }
0x3f: {  	s18 =	sadd.s32 $0x1, s18;
	_ =	swait.ge [sflag:s16], $0x4000  }
0x40: {  	p0 =	sne.s32 s18, s7;
	[sflag:s16] =	ssyncset.done $0x0  }
.Ltmp1:
0x41: {  	[sflag:s16] =	ssyncadd.s32 $0xFFFFC000;
	(pc) =	sbr.rel @p0 .LBB2_1-.Ltmp1, $4  }
0x42: {  	[hbm4b:s6+s3] =	stream.linear.scatter [tilespmem:s13], [sflag:$0x4], $0x4000, $0x38;
	[tilespmem:$0x9C00] =	vst v63  }
0x43: {  	_ =	swait.ge [sflag:s17], $0x4000  }
0x44: {  	[sflag:s17] =	ssyncset.done $0x0  }
0x45: {  	[sflag:s17] =	ssyncadd.s32 $0xFFFFC000  }
0x46: {  	_ =	sfence.sel $0x180000  }
0x47: {  	[bflag:$0x0] =	sbarrier.arrive $0xFFFF  }
0x48: {  	p0 =	sne.s32 s0, $0x0;
	_ =	strace $0x90000047  }
0x49: {  	s0 =	sadd.s32 @!p0 $0x100000, s1;
	[bflag:$0x2] =	sbarrier.arrive $0xFFFF  }
0x4a: {  	[sflag:s0] =	ssyncadd.tile.s32 @!p0 $0x1;
	_ =	shalt  }
.Lfunc_end2:
_tile_overlayer_lowered:
.L_overlay_start_2:
0x4b: {  	(tag) =	ssettag $0x2  }
0x4c: {  	s0 =	rddreg [dreg:$0x0];
	s2 =	stileid.u32  }
0x4d: {  	s1 =	rddreg [dreg:$0x1];
	p0 =	sne.s32 s2, $0x0  }
0x4e: {  	s3 =	rddreg [dreg:$0x2];
	[bflag:$0x3] =	sbarrier.arrive $0xFFFF;
	s2 =	simm.s32 @!p0 $0x1C05  }
0x4f: {  	[timem:s3], [sflag:s2] =	dma.local @!p0 [hbm:s0], s1  }
0x50: {  	s0 =	simm.s32 @!p0 $0x5  }
0x51: {  	_ =	swait.ge @!p0 [sflag:s0], s1  }
0x52: {  	s1 =	ssub.s32 @!p0 $0x0, s1;
	[sflag:s0] =	ssyncset.done @!p0 $0x0  }
0x53: {  	[sflag:s0] =	ssyncadd.s32 @!p0 s1  }
0x54: {  	[bflag:$0x3] =	sbarrier.arrive $0xFFFF  }
0x55: {  	_ =	shalt  }

</sc_bundles>
